<compile_context>
chip_gen: v7x
topology: tpu7x:2x2x1
jax: 0.10.2.dev20260603
libtpu: 0.0.44.dev20260713+nightly
codegen_flags: <defaults>
</compile_context>

<pallas_src>
import jax
import jax.numpy as jnp
from jax import lax
from jax.experimental import pallas as pl
from jax.experimental.pallas import tpu as pltpu
from jax.experimental.pallas import tpu_sc as plsc

B = 4
S = 4096
NQ = 64
D = 2048
NW = 32
ROWS_PER_W = (B * S) // NW
CHUNK = 16
NCHUNKS = ROWS_PER_W // CHUNK
WPB = NW // B
VSLOTS = 16


def _body(ids_hbm, vis_hbm, img_hbm, table_hbm, out_hbm,
          idx_v, img_v, buf0, buf1, visbuf, tgt_s, src_s,
          gsem0, gsem1, wsem0, wsem1, psem):
    wid = lax.axis_index("s") * 2 + lax.axis_index("c")
    base = wid * ROWS_PER_W

    bufs = (buf0, buf1)
    gsems = (gsem0, gsem1)
    wsems = (wsem0, wsem1)

    pltpu.sync_copy(ids_hbm.at[pl.ds(base, ROWS_PER_W)], idx_v)

    def issue_gather(i, b):
        pltpu.async_copy(table_hbm.at[idx_v.at[pl.ds(i * CHUNK, CHUNK)]],
                         bufs[b], gsems[b])

    issue_gather(0, 0)
    issue_gather(1, 1)

    b = wid // WPB
    s0 = (wid % WPB) * ROWS_PER_W
    pltpu.sync_copy(img_hbm.at[pl.ds(b * NQ, NQ)], img_v.at[pl.ds(0, NQ)])
    img_v[pl.ds(NQ, 16)] = jnp.full((16,), -1, jnp.int32)

    def vis_detect(e, cnt):
        pos = img_v[pl.ds(e, 16)][0]
        nxt = img_v[pl.ds(e + 1, 16)][0]
        hit = jnp.logical_and(
            jnp.logical_and(pos >= s0, pos < s0 + ROWS_PER_W),
            pos != nxt)

        @pl.when(hit)
        def _():
            tgt_s[cnt] = b * S + pos
            src_s[cnt] = b * NQ + e

            @pl.when(cnt < VSLOTS)
            def _():
                pltpu.async_copy(vis_hbm.at[b * NQ + e], visbuf.at[cnt], psem)

        return cnt + hit.astype(jnp.int32)

    cnt = lax.fori_loop(0, NQ, vis_detect, 0)
    pcnt = jnp.minimum(cnt, VSLOTS)

    def drain_prefetch(k, carry):
        pltpu.make_async_copy(vis_hbm.at[0], visbuf.at[0], psem).wait()
        return carry

    lax.fori_loop(0, pcnt, drain_prefetch, 0)

    @pl.loop(0, NCHUNKS, step=2)
    def _pipe(g):
        for bb in range(2):
            i = g + bb
            pltpu.make_async_copy(table_hbm.at[pl.ds(0, CHUNK)],
                                  bufs[bb], gsems[bb]).wait()

            lo = base + i * CHUNK

            def patch(k, carry):
                tgt = tgt_s[k]
                in_chunk = jnp.logical_and(tgt >= lo, tgt < lo + CHUNK)

                @pl.when(jnp.logical_and(in_chunk, k < VSLOTS))
                def _():
                    def mv(j, c):
                        bufs[bb][tgt - lo, pl.ds(j * 16, 16)] = (
                            visbuf[k, pl.ds(j * 16, 16)])
                        return c

                    lax.fori_loop(0, D // 16, mv, 0)

                @pl.when(jnp.logical_and(in_chunk, k >= VSLOTS))
                def _():
                    pltpu.sync_copy(vis_hbm.at[src_s[k]],
                                    bufs[bb].at[tgt - lo])

                return carry

            lax.fori_loop(0, cnt, patch, 0)

            pltpu.async_copy(bufs[bb],
                             out_hbm.at[pl.ds(base + i * CHUNK, CHUNK)],
                             wsems[bb])
            pltpu.make_async_copy(bufs[bb], out_hbm.at[pl.ds(base, CHUNK)],
                                  wsems[bb]).wait()

            @pl.when(i + 2 < NCHUNKS)
            def _():
                issue_gather(i + 2, bb)


@jax.jit
def kernel(input_ids, vision_hidden_states, image_indices, embed_table):
    ids = input_ids.reshape(B * S).astype(jnp.int32)
    vis = vision_hidden_states.reshape(B * NQ, D)
    img = image_indices.reshape(B * NQ).astype(jnp.int32)

    mesh = plsc.VectorSubcoreMesh(core_axis_name="c", subcore_axis_name="s")
    out = pl.kernel(
        _body,
        out_type=jax.ShapeDtypeStruct((B * S, D), jnp.float32),
        mesh=mesh,
        scratch_types=[
            pltpu.VMEM((ROWS_PER_W,), jnp.int32),
            pltpu.VMEM((NQ + 16,), jnp.int32),
            pltpu.VMEM((CHUNK, D), jnp.float32),
            pltpu.VMEM((CHUNK, D), jnp.float32),
            pltpu.VMEM((VSLOTS, D), jnp.float32),
            pltpu.SMEM((NQ,), jnp.int32),
            pltpu.SMEM((NQ,), jnp.int32),
            pltpu.SemaphoreType.DMA,
            pltpu.SemaphoreType.DMA,
            pltpu.SemaphoreType.DMA,
            pltpu.SemaphoreType.DMA,
            pltpu.SemaphoreType.DMA,
        ],
    )(ids, vis, img, embed_table)
    return out.reshape(B, S, D)

# --- scband reference (transcript-rebuilt; emitter-appended) ---
"""Pipeline reference for scband-mini-cpmv-45079976739619 (READ-ONLY COPY).

The authoritative reference and input builder live on the scoring server;
editing this copy changes nothing except your own understanding.
"""

import jax, jax.numpy as jnp
import numpy as np

VOCAB = 100000
D_MODEL = 2048
BATCH = 4
SEQ = 4096
N_QUERY = 64

def setup_inputs(seed: int = 0) -> dict:
    key = jax.random.key(seed)
    k1, k2, k3, k4 = jax.random.split(key, 4)
    input_ids = jax.random.randint(k1, (BATCH, SEQ), 0, VOCAB, dtype=jnp.int64) if jax.config.jax_enable_x64 else jax.random.randint(k1, (BATCH, SEQ), 0, VOCAB, dtype=jnp.int32)
    vision_hidden_states = jax.random.normal(k2, (BATCH, N_QUERY, D_MODEL), dtype=jnp.float32)
    image_indices = jnp.sort(jax.random.randint(k3, (BATCH, N_QUERY), 0, SEQ), axis=-1)
    embed_table = jax.random.normal(k4, (VOCAB, D_MODEL), dtype=jnp.float32) * 0.02
    return {
        'input_ids': input_ids,
        'vision_hidden_states': vision_hidden_states,
        'image_indices': image_indices,
        'embed_table': embed_table,
    }

def reference(input_ids, vision_hidden_states, image_indices, embed_table):
    # vllm_embedding = self.embed_tokens(data['input_ids'])
    vllm_embedding = jnp.take(embed_table, input_ids, axis=0)  # [B, S, D]
    # per-sample scatter-overwrite of vision features at image_bound positions:
    #   updated_emb = cur_vllm_emb.scatter(0, indices_expanded, vision_features)
    B = vllm_embedding.shape[0]
    batch_idx = jnp.arange(B)[:, None]  # [B, 1]
    updated = vllm_embedding.at[batch_idx, image_indices].set(vision_hidden_states)
    return updated

if __name__ == "__main__":
    import jax
    _d = setup_inputs()
    print(jax.jit(kernel)(*tuple(_d.values())))

</pallas_src>

<mosaic_0001>
#map = affine_map<(d0, d1) -> (0)>
#map1 = affine_map<(d0, d1) -> (0, 0)>
module attributes {stable_mosaic.version = 14 : i64} {
  func.func @_body(%arg0: i32, %arg1: i32, %arg2: memref<16384xi32, #tpu.memory_space<hbm>>, %arg3: memref<256x2048xf32, #tpu.memory_space<hbm>>, %arg4: memref<256xi32, #tpu.memory_space<hbm>>, %arg5: memref<100000x2048xf32, #tpu.memory_space<hbm>>, %arg6: memref<16384x2048xf32, #tpu.memory_space<hbm>>, %arg7: memref<512xi32, #tpu.memory_space<vmem>>, %arg8: memref<80xi32, #tpu.memory_space<vmem>>, %arg9: memref<16x2048xf32, #tpu.memory_space<vmem>>, %arg10: memref<16x2048xf32, #tpu.memory_space<vmem>>, %arg11: memref<16x2048xf32, #tpu.memory_space<vmem>>, %arg12: memref<64xi32, #tpu.memory_space<smem>>, %arg13: memref<64xi32, #tpu.memory_space<smem>>, %arg14: memref<!tpu.dma_semaphore, #tpu.memory_space<semaphore_mem>>, %arg15: memref<!tpu.dma_semaphore, #tpu.memory_space<semaphore_mem>>, %arg16: memref<!tpu.dma_semaphore, #tpu.memory_space<semaphore_mem>>, %arg17: memref<!tpu.dma_semaphore, #tpu.memory_space<semaphore_mem>>, %arg18: memref<!tpu.dma_semaphore, #tpu.memory_space<semaphore_mem>>) attributes {dimension_semantics = [#tpu.dimension_semantics<core_parallel>, #tpu.dimension_semantics<subcore_parallel>], iteration_bounds = array<i64: 2, 16>, scalar_prefetch = 0 : i64, scratch_operands = 12 : i64, tpu.core_type = #tpu.core_type<sc_vector_subcore>, window_params = [{transform_indices = #map}, {transform_indices = #map1}, {transform_indices = #map}, {transform_indices = #map1}, {transform_indices = #map1}]} {
    %mul3A = arith.constant 2 : i32
    %mul3A_0 = arith.muli %arg1, %mul3A : i32
    %add3A = arith.addi %mul3A_0, %arg0 : i32
    %mul3A_1 = arith.constant 512 : i32
    %mul3A_2 = arith.muli %add3A, %mul3A_1 : i32
    "tpu.region"() ({
      %run_scoped3A = tpu.sem_alloc : memref<!tpu.dma_semaphore, #tpu.memory_space<semaphore_mem>>
      %dma_start3A_71 = tpu.memref_slice %arg2[%mul3A_2] : memref<16384xi32, #tpu.memory_space<hbm>> -> memref<512xi32, #tpu.memory_space<hbm>>
      %dma_start3A_72 = tpu.memref_slice %arg2[%mul3A_2] : memref<16384xi32, #tpu.memory_space<hbm>> -> memref<512xi32, #tpu.memory_space<hbm>>
      tpu.enqueue_dma source(%dma_start3A_72 : memref<512xi32, #tpu.memory_space<hbm>>) target(%arg7 : memref<512xi32, #tpu.memory_space<vmem>>) target_semaphore(%run_scoped3A : memref<!tpu.dma_semaphore, #tpu.memory_space<semaphore_mem>>)
      %dma_wait3A = tpu.memref_slice %arg2[%mul3A_2] : memref<16384xi32, #tpu.memory_space<hbm>> -> memref<512xi32, #tpu.memory_space<hbm>>
      %dma_wait3A_73 = tpu.memref_slice %arg2[%mul3A_2] : memref<16384xi32, #tpu.memory_space<hbm>> -> memref<512xi32, #tpu.memory_space<hbm>>
      tpu.wait_dma2 semaphore(%run_scoped3A : memref<!tpu.dma_semaphore, #tpu.memory_space<semaphore_mem>>) src(%dma_wait3A_73 : memref<512xi32, #tpu.memory_space<hbm>>) dst(%arg7 : memref<512xi32, #tpu.memory_space<vmem>>)
      tpu.yield
    }) : () -> ()
    %dma_start3A = arith.constant 0 : i32
    %dma_start3A_3 = tpu.memref_slice %arg7[%dma_start3A] : memref<512xi32, #tpu.memory_space<vmem>> -> memref<16xi32, #tpu.memory_space<vmem>>
    %dma_start3A_4 = arith.constant 0 : i32
    %dma_start3A_5 = arith.constant 0 : i32
    %dma_start3A_6 = tpu.memref_slice %arg5[%dma_start3A_4, %dma_start3A_5] : memref<100000x2048xf32, #tpu.memory_space<hbm>> -> memref<100000x2048xf32, #tpu.memory_space<hbm>>
    tpu.enqueue_indirect_dma source(%dma_start3A_6 : memref<100000x2048xf32, #tpu.memory_space<hbm>>) target(%arg9 : memref<16x2048xf32, #tpu.memory_space<vmem>>) offsets(%dma_start3A_3 : memref<16xi32, #tpu.memory_space<vmem>>) semaphore(%arg14 : memref<!tpu.dma_semaphore, #tpu.memory_space<semaphore_mem>>)
    %dma_start3A_7 = arith.constant 16 : i32
    %dma_start3A_8 = tpu.memref_slice %arg7[%dma_start3A_7] : memref<512xi32, #tpu.memory_space<vmem>> -> memref<16xi32, #tpu.memory_space<vmem>>
    %dma_start3A_9 = arith.constant 0 : i32
    %dma_start3A_10 = arith.constant 0 : i32
    %dma_start3A_11 = tpu.memref_slice %arg5[%dma_start3A_9, %dma_start3A_10] : memref<100000x2048xf32, #tpu.memory_space<hbm>> -> memref<100000x2048xf32, #tpu.memory_space<hbm>>
    tpu.enqueue_indirect_dma source(%dma_start3A_11 : memref<100000x2048xf32, #tpu.memory_space<hbm>>) target(%arg10 : memref<16x2048xf32, #tpu.memory_space<vmem>>) offsets(%dma_start3A_8 : memref<16xi32, #tpu.memory_space<vmem>>) semaphore(%arg15 : memref<!tpu.dma_semaphore, #tpu.memory_space<semaphore_mem>>)
    %jit3A = arith.constant 8 : i32
    %div3A = arith.divsi %add3A, %jit3A : i32
    %sign3A = arith.constant 0 : i32
    %sign3A_12 = arith.cmpi sgt, %add3A, %sign3A : i32
    %sign3A_13 = arith.extui %sign3A_12 : i1 to i32
    %sign3A_14 = arith.constant 0 : i32
    %sign3A_15 = arith.cmpi slt, %add3A, %sign3A_14 : i32
    %sign3A_16 = arith.extui %sign3A_15 : i1 to i32
    %sign3A_17 = arith.subi %sign3A_13, %sign3A_16 : i32
    %sign3A_18 = arith.constant 0 : i32
    %sign3A_19 = arith.cmpi sgt, %jit3A, %sign3A_18 : i32
    %sign3A_20 = arith.extui %sign3A_19 : i1 to i32
    %sign3A_21 = arith.constant 0 : i32
    %sign3A_22 = arith.cmpi slt, %jit3A, %sign3A_21 : i32
    %sign3A_23 = arith.extui %sign3A_22 : i1 to i32
    %sign3A_24 = arith.subi %sign3A_20, %sign3A_23 : i32
    %ne3A = arith.cmpi ne, %sign3A_17, %sign3A_24 : i32
    %rem3A = arith.remsi %add3A, %jit3A : i32
    %ne3A_25 = arith.constant 0 : i32
    %ne3A_26 = arith.cmpi ne, %rem3A, %ne3A_25 : i32
    %and3A = arith.andi %ne3A, %ne3A_26 : i1
    %sub3A = arith.constant 1 : i32
    %sub3A_27 = arith.subi %div3A, %sub3A : i32
    %select_n3A = arith.select %and3A, %sub3A_27, %div3A : i32
    %jit3A_28 = arith.constant 8 : i32
    %eq3A = arith.constant 0 : i32
    %eq3A_29 = arith.cmpi eq, %jit3A_28, %eq3A : i32
    %jit3A_30 = arith.constant 1 : i32
    %select_n3A_31 = arith.select %eq3A_29, %jit3A_30, %jit3A_28 : i32
    %rem3A_32 = arith.remsi %add3A, %select_n3A_31 : i32
    %ne3A_33 = arith.constant 0 : i32
    %ne3A_34 = arith.cmpi ne, %rem3A_32, %ne3A_33 : i32
    %lt3A = arith.constant 0 : i32
    %lt3A_35 = arith.cmpi slt, %rem3A_32, %lt3A : i32
    %lt3A_36 = arith.constant 0 : i32
    %lt3A_37 = arith.cmpi slt, %select_n3A_31, %lt3A_36 : i32
    %ne3A_38 = arith.xori %lt3A_35, %lt3A_37 : i1
    %and3A_39 = arith.andi %ne3A_38, %ne3A_34 : i1
    %add3A_40 = arith.addi %rem3A_32, %select_n3A_31 : i32
    %select_n3A_41 = arith.select %and3A_39, %add3A_40, %rem3A_32 : i32
    %mul3A_42 = arith.constant 512 : i32
    %mul3A_43 = arith.muli %select_n3A_41, %mul3A_42 : i32
    %mul3A_44 = arith.constant 64 : i32
    %mul3A_45 = arith.muli %select_n3A, %mul3A_44 : i32
    "tpu.region"() ({
      %run_scoped3A = tpu.sem_alloc : memref<!tpu.dma_semaphore, #tpu.memory_space<semaphore_mem>>
      %dma_start3A_71 = arith.constant 0 : i32
      %dma_start3A_72 = tpu.memref_slice %arg8[%dma_start3A_71] : memref<80xi32, #tpu.memory_space<vmem>> -> memref<64xi32, #tpu.memory_space<vmem>>
      %dma_start3A_73 = tpu.memref_slice %arg4[%mul3A_45] : memref<256xi32, #tpu.memory_space<hbm>> -> memref<64xi32, #tpu.memory_space<hbm>>
      %dma_start3A_74 = arith.constant 0 : i32
      %dma_start3A_75 = tpu.memref_slice %arg8[%dma_start3A_74] : memref<80xi32, #tpu.memory_space<vmem>> -> memref<64xi32, #tpu.memory_space<vmem>>
      %dma_start3A_76 = tpu.memref_slice %arg4[%mul3A_45] : memref<256xi32, #tpu.memory_space<hbm>> -> memref<64xi32, #tpu.memory_space<hbm>>
      tpu.enqueue_dma source(%dma_start3A_76 : memref<64xi32, #tpu.memory_space<hbm>>) target(%dma_start3A_75 : memref<64xi32, #tpu.memory_space<vmem>>) target_semaphore(%run_scoped3A : memref<!tpu.dma_semaphore, #tpu.memory_space<semaphore_mem>>)
      %dma_wait3A = arith.constant 0 : i32
      %dma_wait3A_77 = tpu.memref_slice %arg8[%dma_wait3A] : memref<80xi32, #tpu.memory_space<vmem>> -> memref<64xi32, #tpu.memory_space<vmem>>
      %dma_wait3A_78 = tpu.memref_slice %arg4[%mul3A_45] : memref<256xi32, #tpu.memory_space<hbm>> -> memref<64xi32, #tpu.memory_space<hbm>>
      %dma_wait3A_79 = arith.constant 0 : i32
      %dma_wait3A_80 = tpu.memref_slice %arg8[%dma_wait3A_79] : memref<80xi32, #tpu.memory_space<vmem>> -> memref<64xi32, #tpu.memory_space<vmem>>
      %dma_wait3A_81 = tpu.memref_slice %arg4[%mul3A_45] : memref<256xi32, #tpu.memory_space<hbm>> -> memref<64xi32, #tpu.memory_space<hbm>>
      tpu.wait_dma2 semaphore(%run_scoped3A : memref<!tpu.dma_semaphore, #tpu.memory_space<semaphore_mem>>) src(%dma_wait3A_81 : memref<64xi32, #tpu.memory_space<hbm>>) dst(%dma_wait3A_80 : memref<64xi32, #tpu.memory_space<vmem>>)
      tpu.yield
    }) : () -> ()
    %broadcast_in_dim3A = arith.constant -1 : i32
    %broadcast_in_dim3A_46 = vector.broadcast %broadcast_in_dim3A : i32 to vector<16xi32>
    %swap3A = arith.constant 64 : index
    %swap3A_47 = tpu.vector_load %arg8[%swap3A] {strides = array<i32>} : memref<80xi32, #tpu.memory_space<vmem>>, vector<16xi32>,
    %swap3A_48 = vector.shape_cast %swap3A_47 : vector<16xi32> to vector<16xi32>
    %swap3A_49 = vector.shape_cast %broadcast_in_dim3A_46 : vector<16xi32> to vector<16xi32>
    tpu.vector_store %arg8[%swap3A], %swap3A_49 {strides = array<i32>} : memref<80xi32, #tpu.memory_space<vmem>>, vector<16xi32>,
    %scan3A = arith.constant 0 : i32
    %scan3A_50 = arith.constant 0 : i32
    %scan3A_51 = arith.constant 64 : i32
    %scan3A_52 = arith.addi %scan3A_50, %scan3A_51 : i32
    %scan3A_53 = arith.constant 1 : i32
    %scan3A_54 = scf.for %scan3A_71 = %scan3A_50 to %scan3A_52 step %scan3A_53 iter_args(%scan3A_72 = %scan3A) -> (i32)  : i32 {
      %get3A = arith.index_cast %scan3A_71 : i32 to index
      %get3A_73 = tpu.vector_load %arg8[%get3A] {strides = array<i32>} : memref<80xi32, #tpu.memory_space<vmem>>, vector<16xi32>,
      %get3A_74 = vector.shape_cast %get3A_73 : vector<16xi32> to vector<16xi32>
      %slice3A = vector.extract_strided_slice %get3A_74 {offsets = [0], sizes = [1], strides = [1]} : vector<16xi32> to vector<1xi32>
      %squeeze3A = vector.extract %slice3A[0] : i32 from vector<1xi32>
      %add3A_75 = arith.constant 1 : i32
      %add3A_76 = arith.addi %scan3A_71, %add3A_75 : i32
      %get3A_77 = arith.index_cast %add3A_76 : i32 to index
      %get3A_78 = tpu.vector_load %arg8[%get3A_77] {strides = array<i32>} : memref<80xi32, #tpu.memory_space<vmem>>, vector<16xi32>,
      %get3A_79 = vector.shape_cast %get3A_78 : vector<16xi32> to vector<16xi32>
      %slice3A_80 = vector.extract_strided_slice %get3A_79 {offsets = [0], sizes = [1], strides = [1]} : vector<16xi32> to vector<1xi32>
      %squeeze3A_81 = vector.extract %slice3A_80[0] : i32 from vector<1xi32>
      %ge3A = arith.cmpi sge, %squeeze3A, %mul3A_43 : i32
      %add3A_82 = arith.constant 512 : i32
      %add3A_83 = arith.addi %mul3A_43, %add3A_82 : i32
      %lt3A_84 = arith.cmpi slt, %squeeze3A, %add3A_83 : i32
      %and3A_85 = arith.andi %ge3A, %lt3A_84 : i1
      %ne3A_86 = arith.cmpi ne, %squeeze3A, %squeeze3A_81 : i32
      %and3A_87 = arith.andi %and3A_85, %ne3A_86 : i1
      %convert_element_type3A = arith.extui %and3A_87 : i1 to i32
      %cond3A = arith.constant 0 : i32
      %cond3A_88 = arith.cmpi ne, %convert_element_type3A, %cond3A : i32
      scf.if %cond3A_88 {
        %mul3A_91 = arith.constant 4096 : i32
        %mul3A_92 = arith.muli %select_n3A, %mul3A_91 : i32
        %add3A_93 = arith.addi %mul3A_92, %squeeze3A : i32
        %swap3A_94 = arith.index_cast %scan3A_72 : i32 to index
        %swap3A_95 = memref.load %arg12[%swap3A_94] : memref<64xi32, #tpu.memory_space<smem>>
        memref.store %add3A_93, %arg12[%swap3A_94] : memref<64xi32, #tpu.memory_space<smem>>
        %mul3A_96 = arith.constant 64 : i32
        %mul3A_97 = arith.muli %select_n3A, %mul3A_96 : i32
        %add3A_98 = arith.addi %mul3A_97, %scan3A_71 : i32
        %swap3A_99 = arith.index_cast %scan3A_72 : i32 to index
        %swap3A_100 = memref.load %arg13[%swap3A_99] : memref<64xi32, #tpu.memory_space<smem>>
        memref.store %add3A_98, %arg13[%swap3A_99] : memref<64xi32, #tpu.memory_space<smem>>
        %lt3A_101 = arith.constant 16 : i32
        %lt3A_102 = arith.cmpi slt, %scan3A_72, %lt3A_101 : i32
        %convert_element_type3A_103 = arith.extui %lt3A_102 : i1 to i32
        %cond3A_104 = arith.constant 0 : i32
        %cond3A_105 = arith.cmpi ne, %convert_element_type3A_103, %cond3A_104 : i32
        scf.if %cond3A_105 {
          %mul3A_106 = arith.constant 64 : i32
          %mul3A_107 = arith.muli %select_n3A, %mul3A_106 : i32
          %add3A_108 = arith.addi %mul3A_107, %scan3A_71 : i32
          %dma_start3A_109 = arith.constant 0 : i32
          %dma_start3A_110 = tpu.memref_slice %arg11[%scan3A_72, %dma_start3A_109] : memref<16x2048xf32, #tpu.memory_space<vmem>> -> memref<1x2048xf32, #tpu.memory_space<vmem>>
          %dma_start3A_111 = tpu.memref_squeeze %dma_start3A_110 : memref<1x2048xf32, #tpu.memory_space<vmem>> -> memref<2048xf32, #tpu.memory_space<vmem>>
          %dma_start3A_112 = arith.constant 0 : i32
          %dma_start3A_113 = tpu.memref_slice %arg3[%add3A_108, %dma_start3A_112] : memref<256x2048xf32, #tpu.memory_space<hbm>> -> memref<1x2048xf32, #tpu.memory_space<hbm>>
          %dma_start3A_114 = tpu.memref_squeeze %dma_start3A_113 : memref<1x2048xf32, #tpu.memory_space<hbm>> -> memref<2048xf32, #tpu.memory_space<hbm>>
          %dma_start3A_115 = arith.constant 0 : i32
          %dma_start3A_116 = tpu.memref_slice %arg11[%scan3A_72, %dma_start3A_115] : memref<16x2048xf32, #tpu.memory_space<vmem>> -> memref<1x2048xf32, #tpu.memory_space<vmem>>
          %dma_start3A_117 = tpu.memref_squeeze %dma_start3A_116 : memref<1x2048xf32, #tpu.memory_space<vmem>> -> memref<2048xf32, #tpu.memory_space<vmem>>
          %dma_start3A_118 = arith.constant 0 : i32
          %dma_start3A_119 = tpu.memref_slice %arg3[%add3A_108, %dma_start3A_118] : memref<256x2048xf32, #tpu.memory_space<hbm>> -> memref<1x2048xf32, #tpu.memory_space<hbm>>
          %dma_start3A_120 = tpu.memref_squeeze %dma_start3A_119 : memref<1x2048xf32, #tpu.memory_space<hbm>> -> memref<2048xf32, #tpu.memory_space<hbm>>
          tpu.enqueue_dma source(%dma_start3A_120 : memref<2048xf32, #tpu.memory_space<hbm>>) target(%dma_start3A_117 : memref<2048xf32, #tpu.memory_space<vmem>>) target_semaphore(%arg18 : memref<!tpu.dma_semaphore, #tpu.memory_space<semaphore_mem>>)
        } else {
        }
      } else {
      }
      %convert_element_type3A_89 = arith.extui %and3A_87 : i1 to i32
      %add3A_90 = arith.addi %scan3A_72, %convert_element_type3A_89 : i32
      scf.yield %add3A_90 : i32
    }
    %scan3A_55 = arith.constant 64 : i32
    %min3A = arith.constant 16 : i32
    %min3A_56 = arith.minsi %scan3A_54, %min3A : i32
    %while3A = arith.constant 0 : i32
    %while3A_57 = arith.constant 0 : i32
    %while3A_58 = arith.subi %min3A_56, %while3A_57 : i32
    %while3A_59 = arith.addi %while3A_57, %while3A_58 : i32
    %while3A_60 = arith.constant 1 : i32
    %while3A_61 = arith.divsi %while3A_58, %while3A_60 : i32
    %while3A_62 = arith.muli %while3A_61, %while3A_60 : i32
    %while3A_63 = arith.addi %while3A_57, %while3A_62 : i32
    %while3A_64 = arith.constant 1 : i32
    scf.for %while3A_71 = %while3A_57 to %while3A_63 step %while3A_64  : i32 {
      %dma_wait3A = arith.constant 0 : i32
      %dma_wait3A_72 = arith.constant 0 : i32
      %dma_wait3A_73 = arith.constant 0 : i32
      %dma_wait3A_74 = tpu.memref_slice %arg11[%dma_wait3A_72, %dma_wait3A_73] : memref<16x2048xf32, #tpu.memory_space<vmem>> -> memref<1x2048xf32, #tpu.memory_space<vmem>>
      %dma_wait3A_75 = tpu.memref_squeeze %dma_wait3A_74 : memref<1x2048xf32, #tpu.memory_space<vmem>> -> memref<2048xf32, #tpu.memory_space<vmem>>
      %dma_wait3A_76 = arith.constant 0 : i32
      %dma_wait3A_77 = tpu.memref_slice %arg3[%dma_wait3A, %dma_wait3A_76] : memref<256x2048xf32, #tpu.memory_space<hbm>> -> memref<1x2048xf32, #tpu.memory_space<hbm>>
      %dma_wait3A_78 = tpu.memref_squeeze %dma_wait3A_77 : memref<1x2048xf32, #tpu.memory_space<hbm>> -> memref<2048xf32, #tpu.memory_space<hbm>>
      %dma_wait3A_79 = arith.constant 0 : i32
      %dma_wait3A_80 = tpu.memref_slice %arg11[%dma_wait3A_72, %dma_wait3A_79] : memref<16x2048xf32, #tpu.memory_space<vmem>> -> memref<1x2048xf32, #tpu.memory_space<vmem>>
      %dma_wait3A_81 = tpu.memref_squeeze %dma_wait3A_80 : memref<1x2048xf32, #tpu.memory_space<vmem>> -> memref<2048xf32, #tpu.memory_space<vmem>>
      %dma_wait3A_82 = arith.constant 0 : i32
      %dma_wait3A_83 = tpu.memref_slice %arg3[%dma_wait3A, %dma_wait3A_82] : memref<256x2048xf32, #tpu.memory_space<hbm>> -> memref<1x2048xf32, #tpu.memory_space<hbm>>
      %dma_wait3A_84 = tpu.memref_squeeze %dma_wait3A_83 : memref<1x2048xf32, #tpu.memory_space<hbm>> -> memref<2048xf32, #tpu.memory_space<hbm>>
      tpu.wait_dma2 semaphore(%arg18 : memref<!tpu.dma_semaphore, #tpu.memory_space<semaphore_mem>>) src(%dma_wait3A_84 : memref<2048xf32, #tpu.memory_space<hbm>>) dst(%dma_wait3A_81 : memref<2048xf32, #tpu.memory_space<vmem>>)
    }
    %while3A_65 = arith.constant 1 : i32
    scf.for %while3A_71 = %while3A_63 to %while3A_59 step %while3A_65  : i32 {
      %dma_wait3A = arith.constant 0 : i32
      %dma_wait3A_72 = arith.constant 0 : i32
      %dma_wait3A_73 = arith.constant 0 : i32
      %dma_wait3A_74 = tpu.memref_slice %arg11[%dma_wait3A_72, %dma_wait3A_73] : memref<16x2048xf32, #tpu.memory_space<vmem>> -> memref<1x2048xf32, #tpu.memory_space<vmem>>
      %dma_wait3A_75 = tpu.memref_squeeze %dma_wait3A_74 : memref<1x2048xf32, #tpu.memory_space<vmem>> -> memref<2048xf32, #tpu.memory_space<vmem>>
      %dma_wait3A_76 = arith.constant 0 : i32
      %dma_wait3A_77 = tpu.memref_slice %arg3[%dma_wait3A, %dma_wait3A_76] : memref<256x2048xf32, #tpu.memory_space<hbm>> -> memref<1x2048xf32, #tpu.memory_space<hbm>>
      %dma_wait3A_78 = tpu.memref_squeeze %dma_wait3A_77 : memref<1x2048xf32, #tpu.memory_space<hbm>> -> memref<2048xf32, #tpu.memory_space<hbm>>
      %dma_wait3A_79 = arith.constant 0 : i32
      %dma_wait3A_80 = tpu.memref_slice %arg11[%dma_wait3A_72, %dma_wait3A_79] : memref<16x2048xf32, #tpu.memory_space<vmem>> -> memref<1x2048xf32, #tpu.memory_space<vmem>>
      %dma_wait3A_81 = tpu.memref_squeeze %dma_wait3A_80 : memref<1x2048xf32, #tpu.memory_space<vmem>> -> memref<2048xf32, #tpu.memory_space<vmem>>
      %dma_wait3A_82 = arith.constant 0 : i32
      %dma_wait3A_83 = tpu.memref_slice %arg3[%dma_wait3A, %dma_wait3A_82] : memref<256x2048xf32, #tpu.memory_space<hbm>> -> memref<1x2048xf32, #tpu.memory_space<hbm>>
      %dma_wait3A_84 = tpu.memref_squeeze %dma_wait3A_83 : memref<1x2048xf32, #tpu.memory_space<hbm>> -> memref<2048xf32, #tpu.memory_space<hbm>>
      tpu.wait_dma2 semaphore(%arg18 : memref<!tpu.dma_semaphore, #tpu.memory_space<semaphore_mem>>) src(%dma_wait3A_84 : memref<2048xf32, #tpu.memory_space<hbm>>) dst(%dma_wait3A_81 : memref<2048xf32, #tpu.memory_space<vmem>>)
    }
    %scan3A_66 = arith.constant 0 : i32
    %scan3A_67 = arith.constant 16 : i32
    %scan3A_68 = arith.addi %scan3A_66, %scan3A_67 : i32
    %scan3A_69 = arith.constant 1 : i32
    scf.for %scan3A_71 = %scan3A_66 to %scan3A_68 step %scan3A_69  : i32 {
      %mul3A_72 = arith.constant 2 : i32
      %mul3A_73 = arith.muli %scan3A_71, %mul3A_72 : i32
      %add3A_74 = arith.constant 0 : i32
      %add3A_75 = arith.addi %add3A_74, %mul3A_73 : i32
      %add3A_76 = arith.constant 0 : i32
      %add3A_77 = arith.addi %add3A_75, %add3A_76 : i32
      %dma_wait3A = arith.constant 0 : i32
      %dma_wait3A_78 = arith.constant 0 : i32
      %dma_wait3A_79 = tpu.memref_slice %arg5[%dma_wait3A, %dma_wait3A_78] : memref<100000x2048xf32, #tpu.memory_space<hbm>> -> memref<16x2048xf32, #tpu.memory_space<hbm>>
      %dma_wait3A_80 = arith.constant 0 : i32
      %dma_wait3A_81 = arith.constant 0 : i32
      %dma_wait3A_82 = tpu.memref_slice %arg5[%dma_wait3A_80, %dma_wait3A_81] : memref<100000x2048xf32, #tpu.memory_space<hbm>> -> memref<16x2048xf32, #tpu.memory_space<hbm>>
      tpu.wait_dma2 semaphore(%arg14 : memref<!tpu.dma_semaphore, #tpu.memory_space<semaphore_mem>>) src(%dma_wait3A_82 : memref<16x2048xf32, #tpu.memory_space<hbm>>) dst(%arg9 : memref<16x2048xf32, #tpu.memory_space<vmem>>)
      %mul3A_83 = arith.constant 16 : i32
      %mul3A_84 = arith.muli %add3A_77, %mul3A_83 : i32
      %add3A_85 = arith.addi %mul3A_2, %mul3A_84 : i32
      %while3A_86 = arith.constant 0 : i32
      %while3A_87 = arith.constant 0 : i32
      %while3A_88 = arith.subi %scan3A_54, %while3A_87 : i32
      %while3A_89 = arith.addi %while3A_87, %while3A_88 : i32
      %while3A_90 = arith.constant 1 : i32
      %while3A_91 = arith.divsi %while3A_88, %while3A_90 : i32
      %while3A_92 = arith.muli %while3A_91, %while3A_90 : i32
      %while3A_93 = arith.addi %while3A_87, %while3A_92 : i32
      %while3A_94 = arith.constant 1 : i32
      scf.for %while3A_151 = %while3A_87 to %while3A_93 step %while3A_94  : i32 {
        %get3A = arith.index_cast %while3A_151 : i32 to index
        %get3A_152 = memref.load %arg12[%get3A] : memref<64xi32, #tpu.memory_space<smem>>
        %ge3A = arith.cmpi sge, %get3A_152, %add3A_85 : i32
        %add3A_153 = arith.constant 16 : i32
        %add3A_154 = arith.addi %add3A_85, %add3A_153 : i32
        %lt3A_155 = arith.cmpi slt, %get3A_152, %add3A_154 : i32
        %and3A_156 = arith.andi %ge3A, %lt3A_155 : i1
        %lt3A_157 = arith.constant 16 : i32
        %lt3A_158 = arith.cmpi slt, %while3A_151, %lt3A_157 : i32
        %and3A_159 = arith.andi %and3A_156, %lt3A_158 : i1
        %convert_element_type3A_160 = arith.extui %and3A_159 : i1 to i32
        %cond3A_161 = arith.constant 0 : i32
        %cond3A_162 = arith.cmpi ne, %convert_element_type3A_160, %cond3A_161 : i32
        scf.if %cond3A_162 {
          %scan3A_169 = arith.constant 0 : i32
          %scan3A_170 = arith.constant 0 : i32
          %scan3A_171 = arith.constant 128 : i32
          %scan3A_172 = arith.addi %scan3A_170, %scan3A_171 : i32
          %scan3A_173 = arith.constant 1 : i32
          scf.for %scan3A_175 = %scan3A_170 to %scan3A_172 step %scan3A_173  : i32 {
            %mul3A_176 = arith.constant 16 : i32
            %mul3A_177 = arith.muli %scan3A_175, %mul3A_176 : i32
            %get3A_178 = arith.index_cast %while3A_151 : i32 to index
            %get3A_179 = arith.index_cast %mul3A_177 : i32 to index
            %get3A_180 = tpu.vector_load %arg11[%get3A_178, %get3A_179] {strides = array<i32>} : memref<16x2048xf32, #tpu.memory_space<vmem>>, vector<1x16xf32>,
            %get3A_181 = vector.shape_cast %get3A_180 : vector<1x16xf32> to vector<16xf32>
            %sub3A_182 = arith.subi %get3A_152, %add3A_85 : i32
            %mul3A_183 = arith.constant 16 : i32
            %mul3A_184 = arith.muli %scan3A_175, %mul3A_183 : i32
            %swap3A_185 = arith.index_cast %sub3A_182 : i32 to index
            %swap3A_186 = arith.index_cast %mul3A_184 : i32 to index
            %swap3A_187 = tpu.vector_load %arg9[%swap3A_185, %swap3A_186] {strides = array<i32>} : memref<16x2048xf32, #tpu.memory_space<vmem>>, vector<1x16xf32>,
            %swap3A_188 = vector.shape_cast %swap3A_187 : vector<1x16xf32> to vector<16xf32>
            %swap3A_189 = vector.shape_cast %get3A_181 : vector<16xf32> to vector<1x16xf32>
            tpu.vector_store %arg9[%swap3A_185, %swap3A_186], %swap3A_189 {strides = array<i32>} : memref<16x2048xf32, #tpu.memory_space<vmem>>, vector<1x16xf32>,
          }
          %scan3A_174 = arith.constant 128 : i32
        } else {
        }
        %ge3A_163 = arith.constant 16 : i32
        %ge3A_164 = arith.cmpi sge, %while3A_151, %ge3A_163 : i32
        %and3A_165 = arith.andi %and3A_156, %ge3A_164 : i1
        %convert_element_type3A_166 = arith.extui %and3A_165 : i1 to i32
        %cond3A_167 = arith.constant 0 : i32
        %cond3A_168 = arith.cmpi ne, %convert_element_type3A_166, %cond3A_167 : i32
        scf.if %cond3A_168 {
          %get3A_169 = arith.index_cast %while3A_151 : i32 to index
          %get3A_170 = memref.load %arg13[%get3A_169] : memref<64xi32, #tpu.memory_space<smem>>
          %sub3A_171 = arith.subi %get3A_152, %add3A_85 : i32
          "tpu.region"() ({
            %run_scoped3A = tpu.sem_alloc : memref<!tpu.dma_semaphore, #tpu.memory_space<semaphore_mem>>
            %dma_start3A_172 = arith.constant 0 : i32
            %dma_start3A_173 = tpu.memref_slice %arg9[%sub3A_171, %dma_start3A_172] : memref<16x2048xf32, #tpu.memory_space<vmem>> -> memref<1x2048xf32, #tpu.memory_space<vmem>>
            %dma_start3A_174 = tpu.memref_squeeze %dma_start3A_173 : memref<1x2048xf32, #tpu.memory_space<vmem>> -> memref<2048xf32, #tpu.memory_space<vmem>>
            %dma_start3A_175 = arith.constant 0 : i32
            %dma_start3A_176 = tpu.memref_slice %arg3[%get3A_170, %dma_start3A_175] : memref<256x2048xf32, #tpu.memory_space<hbm>> -> memref<1x2048xf32, #tpu.memory_space<hbm>>
            %dma_start3A_177 = tpu.memref_squeeze %dma_start3A_176 : memref<1x2048xf32, #tpu.memory_space<hbm>> -> memref<2048xf32, #tpu.memory_space<hbm>>
            %dma_start3A_178 = arith.constant 0 : i32
            %dma_start3A_179 = tpu.memref_slice %arg9[%sub3A_171, %dma_start3A_178] : memref<16x2048xf32, #tpu.memory_space<vmem>> -> memref<1x2048xf32, #tpu.memory_space<vmem>>
            %dma_start3A_180 = tpu.memref_squeeze %dma_start3A_179 : memref<1x2048xf32, #tpu.memory_space<vmem>> -> memref<2048xf32, #tpu.memory_space<vmem>>
            %dma_start3A_181 = arith.constant 0 : i32
            %dma_start3A_182 = tpu.memref_slice %arg3[%get3A_170, %dma_start3A_181] : memref<256x2048xf32, #tpu.memory_space<hbm>> -> memref<1x2048xf32, #tpu.memory_space<hbm>>
            %dma_start3A_183 = tpu.memref_squeeze %dma_start3A_182 : memref<1x2048xf32, #tpu.memory_space<hbm>> -> memref<2048xf32, #tpu.memory_space<hbm>>
            tpu.enqueue_dma source(%dma_start3A_183 : memref<2048xf32, #tpu.memory_space<hbm>>) target(%dma_start3A_180 : memref<2048xf32, #tpu.memory_space<vmem>>) target_semaphore(%run_scoped3A : memref<!tpu.dma_semaphore, #tpu.memory_space<semaphore_mem>>)
            %dma_wait3A_184 = arith.constant 0 : i32
            %dma_wait3A_185 = tpu.memref_slice %arg9[%sub3A_171, %dma_wait3A_184] : memref<16x2048xf32, #tpu.memory_space<vmem>> -> memref<1x2048xf32, #tpu.memory_space<vmem>>
            %dma_wait3A_186 = tpu.memref_squeeze %dma_wait3A_185 : memref<1x2048xf32, #tpu.memory_space<vmem>> -> memref<2048xf32, #tpu.memory_space<vmem>>
            %dma_wait3A_187 = arith.constant 0 : i32
            %dma_wait3A_188 = tpu.memref_slice %arg3[%get3A_170, %dma_wait3A_187] : memref<256x2048xf32, #tpu.memory_space<hbm>> -> memref<1x2048xf32, #tpu.memory_space<hbm>>
            %dma_wait3A_189 = tpu.memref_squeeze %dma_wait3A_188 : memref<1x2048xf32, #tpu.memory_space<hbm>> -> memref<2048xf32, #tpu.memory_space<hbm>>
            %dma_wait3A_190 = arith.constant 0 : i32
            %dma_wait3A_191 = tpu.memref_slice %arg9[%sub3A_171, %dma_wait3A_190] : memref<16x2048xf32, #tpu.memory_space<vmem>> -> memref<1x2048xf32, #tpu.memory_space<vmem>>
            %dma_wait3A_192 = tpu.memref_squeeze %dma_wait3A_191 : memref<1x2048xf32, #tpu.memory_space<vmem>> -> memref<2048xf32, #tpu.memory_space<vmem>>
            %dma_wait3A_193 = arith.constant 0 : i32
            %dma_wait3A_194 = tpu.memref_slice %arg3[%get3A_170, %dma_wait3A_193] : memref<256x2048xf32, #tpu.memory_space<hbm>> -> memref<1x2048xf32, #tpu.memory_space<hbm>>
            %dma_wait3A_195 = tpu.memref_squeeze %dma_wait3A_194 : memref<1x2048xf32, #tpu.memory_space<hbm>> -> memref<2048xf32, #tpu.memory_space<hbm>>
            tpu.wait_dma2 semaphore(%run_scoped3A : memref<!tpu.dma_semaphore, #tpu.memory_space<semaphore_mem>>) src(%dma_wait3A_195 : memref<2048xf32, #tpu.memory_space<hbm>>) dst(%dma_wait3A_192 : memref<2048xf32, #tpu.memory_space<vmem>>)
            tpu.yield
          }) : () -> ()
        } else {
        }
      }
      %while3A_95 = arith.constant 1 : i32
      scf.for %while3A_151 = %while3A_93 to %while3A_89 step %while3A_95  : i32 {
        %get3A = arith.index_cast %while3A_151 : i32 to index
        %get3A_152 = memref.load %arg12[%get3A] : memref<64xi32, #tpu.memory_space<smem>>
        %ge3A = arith.cmpi sge, %get3A_152, %add3A_85 : i32
        %add3A_153 = arith.constant 16 : i32
        %add3A_154 = arith.addi %add3A_85, %add3A_153 : i32
        %lt3A_155 = arith.cmpi slt, %get3A_152, %add3A_154 : i32
        %and3A_156 = arith.andi %ge3A, %lt3A_155 : i1
        %lt3A_157 = arith.constant 16 : i32
        %lt3A_158 = arith.cmpi slt, %while3A_151, %lt3A_157 : i32
        %and3A_159 = arith.andi %and3A_156, %lt3A_158 : i1
        %convert_element_type3A_160 = arith.extui %and3A_159 : i1 to i32
        %cond3A_161 = arith.constant 0 : i32
        %cond3A_162 = arith.cmpi ne, %convert_element_type3A_160, %cond3A_161 : i32
        scf.if %cond3A_162 {
          %scan3A_169 = arith.constant 0 : i32
          %scan3A_170 = arith.constant 0 : i32
          %scan3A_171 = arith.constant 128 : i32
          %scan3A_172 = arith.addi %scan3A_170, %scan3A_171 : i32
          %scan3A_173 = arith.constant 1 : i32
          scf.for %scan3A_175 = %scan3A_170 to %scan3A_172 step %scan3A_173  : i32 {
            %mul3A_176 = arith.constant 16 : i32
            %mul3A_177 = arith.muli %scan3A_175, %mul3A_176 : i32
            %get3A_178 = arith.index_cast %while3A_151 : i32 to index
            %get3A_179 = arith.index_cast %mul3A_177 : i32 to index
            %get3A_180 = tpu.vector_load %arg11[%get3A_178, %get3A_179] {strides = array<i32>} : memref<16x2048xf32, #tpu.memory_space<vmem>>, vector<1x16xf32>,
            %get3A_181 = vector.shape_cast %get3A_180 : vector<1x16xf32> to vector<16xf32>
            %sub3A_182 = arith.subi %get3A_152, %add3A_85 : i32
            %mul3A_183 = arith.constant 16 : i32
            %mul3A_184 = arith.muli %scan3A_175, %mul3A_183 : i32
            %swap3A_185 = arith.index_cast %sub3A_182 : i32 to index
            %swap3A_186 = arith.index_cast %mul3A_184 : i32 to index
            %swap3A_187 = tpu.vector_load %arg9[%swap3A_185, %swap3A_186] {strides = array<i32>} : memref<16x2048xf32, #tpu.memory_space<vmem>>, vector<1x16xf32>,
            %swap3A_188 = vector.shape_cast %swap3A_187 : vector<1x16xf32> to vector<16xf32>
            %swap3A_189 = vector.shape_cast %get3A_181 : vector<16xf32> to vector<1x16xf32>
            tpu.vector_store %arg9[%swap3A_185, %swap3A_186], %swap3A_189 {strides = array<i32>} : memref<16x2048xf32, #tpu.memory_space<vmem>>, vector<1x16xf32>,
          }
          %scan3A_174 = arith.constant 128 : i32
        } else {
        }
        %ge3A_163 = arith.constant 16 : i32
        %ge3A_164 = arith.cmpi sge, %while3A_151, %ge3A_163 : i32
        %and3A_165 = arith.andi %and3A_156, %ge3A_164 : i1
        %convert_element_type3A_166 = arith.extui %and3A_165 : i1 to i32
        %cond3A_167 = arith.constant 0 : i32
        %cond3A_168 = arith.cmpi ne, %convert_element_type3A_166, %cond3A_167 : i32
        scf.if %cond3A_168 {
          %get3A_169 = arith.index_cast %while3A_151 : i32 to index
          %get3A_170 = memref.load %arg13[%get3A_169] : memref<64xi32, #tpu.memory_space<smem>>
          %sub3A_171 = arith.subi %get3A_152, %add3A_85 : i32
          "tpu.region"() ({
            %run_scoped3A = tpu.sem_alloc : memref<!tpu.dma_semaphore, #tpu.memory_space<semaphore_mem>>
            %dma_start3A_172 = arith.constant 0 : i32
            %dma_start3A_173 = tpu.memref_slice %arg9[%sub3A_171, %dma_start3A_172] : memref<16x2048xf32, #tpu.memory_space<vmem>> -> memref<1x2048xf32, #tpu.memory_space<vmem>>
            %dma_start3A_174 = tpu.memref_squeeze %dma_start3A_173 : memref<1x2048xf32, #tpu.memory_space<vmem>> -> memref<2048xf32, #tpu.memory_space<vmem>>
            %dma_start3A_175 = arith.constant 0 : i32
            %dma_start3A_176 = tpu.memref_slice %arg3[%get3A_170, %dma_start3A_175] : memref<256x2048xf32, #tpu.memory_space<hbm>> -> memref<1x2048xf32, #tpu.memory_space<hbm>>
            %dma_start3A_177 = tpu.memref_squeeze %dma_start3A_176 : memref<1x2048xf32, #tpu.memory_space<hbm>> -> memref<2048xf32, #tpu.memory_space<hbm>>
            %dma_start3A_178 = arith.constant 0 : i32
            %dma_start3A_179 = tpu.memref_slice %arg9[%sub3A_171, %dma_start3A_178] : memref<16x2048xf32, #tpu.memory_space<vmem>> -> memref<1x2048xf32, #tpu.memory_space<vmem>>
            %dma_start3A_180 = tpu.memref_squeeze %dma_start3A_179 : memref<1x2048xf32, #tpu.memory_space<vmem>> -> memref<2048xf32, #tpu.memory_space<vmem>>
            %dma_start3A_181 = arith.constant 0 : i32
            %dma_start3A_182 = tpu.memref_slice %arg3[%get3A_170, %dma_start3A_181] : memref<256x2048xf32, #tpu.memory_space<hbm>> -> memref<1x2048xf32, #tpu.memory_space<hbm>>
            %dma_start3A_183 = tpu.memref_squeeze %dma_start3A_182 : memref<1x2048xf32, #tpu.memory_space<hbm>> -> memref<2048xf32, #tpu.memory_space<hbm>>
            tpu.enqueue_dma source(%dma_start3A_183 : memref<2048xf32, #tpu.memory_space<hbm>>) target(%dma_start3A_180 : memref<2048xf32, #tpu.memory_space<vmem>>) target_semaphore(%run_scoped3A : memref<!tpu.dma_semaphore, #tpu.memory_space<semaphore_mem>>)
            %dma_wait3A_184 = arith.constant 0 : i32
            %dma_wait3A_185 = tpu.memref_slice %arg9[%sub3A_171, %dma_wait3A_184] : memref<16x2048xf32, #tpu.memory_space<vmem>> -> memref<1x2048xf32, #tpu.memory_space<vmem>>
            %dma_wait3A_186 = tpu.memref_squeeze %dma_wait3A_185 : memref<1x2048xf32, #tpu.memory_space<vmem>> -> memref<2048xf32, #tpu.memory_space<vmem>>
            %dma_wait3A_187 = arith.constant 0 : i32
            %dma_wait3A_188 = tpu.memref_slice %arg3[%get3A_170, %dma_wait3A_187] : memref<256x2048xf32, #tpu.memory_space<hbm>> -> memref<1x2048xf32, #tpu.memory_space<hbm>>
            %dma_wait3A_189 = tpu.memref_squeeze %dma_wait3A_188 : memref<1x2048xf32, #tpu.memory_space<hbm>> -> memref<2048xf32, #tpu.memory_space<hbm>>
            %dma_wait3A_190 = arith.constant 0 : i32
            %dma_wait3A_191 = tpu.memref_slice %arg9[%sub3A_171, %dma_wait3A_190] : memref<16x2048xf32, #tpu.memory_space<vmem>> -> memref<1x2048xf32, #tpu.memory_space<vmem>>
            %dma_wait3A_192 = tpu.memref_squeeze %dma_wait3A_191 : memref<1x2048xf32, #tpu.memory_space<vmem>> -> memref<2048xf32, #tpu.memory_space<vmem>>
            %dma_wait3A_193 = arith.constant 0 : i32
            %dma_wait3A_194 = tpu.memref_slice %arg3[%get3A_170, %dma_wait3A_193] : memref<256x2048xf32, #tpu.memory_space<hbm>> -> memref<1x2048xf32, #tpu.memory_space<hbm>>
            %dma_wait3A_195 = tpu.memref_squeeze %dma_wait3A_194 : memref<1x2048xf32, #tpu.memory_space<hbm>> -> memref<2048xf32, #tpu.memory_space<hbm>>
            tpu.wait_dma2 semaphore(%run_scoped3A : memref<!tpu.dma_semaphore, #tpu.memory_space<semaphore_mem>>) src(%dma_wait3A_195 : memref<2048xf32, #tpu.memory_space<hbm>>) dst(%dma_wait3A_192 : memref<2048xf32, #tpu.memory_space<vmem>>)
            tpu.yield
          }) : () -> ()
        } else {
        }
      }
      %mul3A_96 = arith.constant 16 : i32
      %mul3A_97 = arith.muli %add3A_77, %mul3A_96 : i32
      %add3A_98 = arith.addi %mul3A_2, %mul3A_97 : i32
      %dma_start3A_99 = arith.constant 0 : i32
      %dma_start3A_100 = tpu.memref_slice %arg6[%add3A_98, %dma_start3A_99] : memref<16384x2048xf32, #tpu.memory_space<hbm>> -> memref<16x2048xf32, #tpu.memory_space<hbm>>
      %dma_start3A_101 = arith.constant 0 : i32
      %dma_start3A_102 = tpu.memref_slice %arg6[%add3A_98, %dma_start3A_101] : memref<16384x2048xf32, #tpu.memory_space<hbm>> -> memref<16x2048xf32, #tpu.memory_space<hbm>>
      tpu.enqueue_dma source(%arg9 : memref<16x2048xf32, #tpu.memory_space<vmem>>) target(%dma_start3A_102 : memref<16x2048xf32, #tpu.memory_space<hbm>>) target_semaphore(%arg16 : memref<!tpu.dma_semaphore, #tpu.memory_space<semaphore_mem>>)
      %dma_wait3A_103 = arith.constant 0 : i32
      %dma_wait3A_104 = tpu.memref_slice %arg6[%mul3A_2, %dma_wait3A_103] : memref<16384x2048xf32, #tpu.memory_space<hbm>> -> memref<16x2048xf32, #tpu.memory_space<hbm>>
      %dma_wait3A_105 = arith.constant 0 : i32
      %dma_wait3A_106 = tpu.memref_slice %arg6[%mul3A_2, %dma_wait3A_105] : memref<16384x2048xf32, #tpu.memory_space<hbm>> -> memref<16x2048xf32, #tpu.memory_space<hbm>>
      tpu.wait_dma2 semaphore(%arg16 : memref<!tpu.dma_semaphore, #tpu.memory_space<semaphore_mem>>) src(%arg9 : memref<16x2048xf32, #tpu.memory_space<vmem>>) dst(%dma_wait3A_106 : memref<16x2048xf32, #tpu.memory_space<hbm>>)
      %add3A_107 = arith.constant 2 : i32
      %add3A_108 = arith.addi %add3A_77, %add3A_107 : i32
      %lt3A_109 = arith.constant 32 : i32
      %lt3A_110 = arith.cmpi slt, %add3A_108, %lt3A_109 : i32
      %convert_element_type3A = arith.extui %lt3A_110 : i1 to i32
      %cond3A = arith.constant 0 : i32
      %cond3A_111 = arith.cmpi ne, %convert_element_type3A, %cond3A : i32
      scf.if %cond3A_111 {
        %add3A_151 = arith.constant 2 : i32
        %add3A_152 = arith.addi %add3A_77, %add3A_151 : i32
        %mul3A_153 = arith.constant 16 : i32
        %mul3A_154 = arith.muli %add3A_152, %mul3A_153 : i32
        %dma_start3A_155 = tpu.memref_slice %arg7[%mul3A_154] : memref<512xi32, #tpu.memory_space<vmem>> -> memref<16xi32, #tpu.memory_space<vmem>>
        %dma_start3A_156 = arith.constant 0 : i32
        %dma_start3A_157 = arith.constant 0 : i32
        %dma_start3A_158 = tpu.memref_slice %arg5[%dma_start3A_156, %dma_start3A_157] : memref<100000x2048xf32, #tpu.memory_space<hbm>> -> memref<100000x2048xf32, #tpu.memory_space<hbm>>
        tpu.enqueue_indirect_dma source(%dma_start3A_158 : memref<100000x2048xf32, #tpu.memory_space<hbm>>) target(%arg9 : memref<16x2048xf32, #tpu.memory_space<vmem>>) offsets(%dma_start3A_155 : memref<16xi32, #tpu.memory_space<vmem>>) semaphore(%arg14 : memref<!tpu.dma_semaphore, #tpu.memory_space<semaphore_mem>>)
      } else {
      }
      %add3A_112 = arith.constant 1 : i32
      %add3A_113 = arith.addi %add3A_75, %add3A_112 : i32
      %dma_wait3A_114 = arith.constant 0 : i32
      %dma_wait3A_115 = arith.constant 0 : i32
      %dma_wait3A_116 = tpu.memref_slice %arg5[%dma_wait3A_114, %dma_wait3A_115] : memref<100000x2048xf32, #tpu.memory_space<hbm>> -> memref<16x2048xf32, #tpu.memory_space<hbm>>
      %dma_wait3A_117 = arith.constant 0 : i32
      %dma_wait3A_118 = arith.constant 0 : i32
      %dma_wait3A_119 = tpu.memref_slice %arg5[%dma_wait3A_117, %dma_wait3A_118] : memref<100000x2048xf32, #tpu.memory_space<hbm>> -> memref<16x2048xf32, #tpu.memory_space<hbm>>
      tpu.wait_dma2 semaphore(%arg15 : memref<!tpu.dma_semaphore, #tpu.memory_space<semaphore_mem>>) src(%dma_wait3A_119 : memref<16x2048xf32, #tpu.memory_space<hbm>>) dst(%arg10 : memref<16x2048xf32, #tpu.memory_space<vmem>>)
      %mul3A_120 = arith.constant 16 : i32
      %mul3A_121 = arith.muli %add3A_113, %mul3A_120 : i32
      %add3A_122 = arith.addi %mul3A_2, %mul3A_121 : i32
      %while3A_123 = arith.constant 0 : i32
      %while3A_124 = arith.constant 0 : i32
      %while3A_125 = arith.subi %scan3A_54, %while3A_124 : i32
      %while3A_126 = arith.addi %while3A_124, %while3A_125 : i32
      %while3A_127 = arith.constant 1 : i32
      %while3A_128 = arith.divsi %while3A_125, %while3A_127 : i32
      %while3A_129 = arith.muli %while3A_128, %while3A_127 : i32
      %while3A_130 = arith.addi %while3A_124, %while3A_129 : i32
      %while3A_131 = arith.constant 1 : i32
      scf.for %while3A_151 = %while3A_124 to %while3A_130 step %while3A_131  : i32 {
        %get3A = arith.index_cast %while3A_151 : i32 to index
        %get3A_152 = memref.load %arg12[%get3A] : memref<64xi32, #tpu.memory_space<smem>>
        %ge3A = arith.cmpi sge, %get3A_152, %add3A_122 : i32
        %add3A_153 = arith.constant 16 : i32
        %add3A_154 = arith.addi %add3A_122, %add3A_153 : i32
        %lt3A_155 = arith.cmpi slt, %get3A_152, %add3A_154 : i32
        %and3A_156 = arith.andi %ge3A, %lt3A_155 : i1
        %lt3A_157 = arith.constant 16 : i32
        %lt3A_158 = arith.cmpi slt, %while3A_151, %lt3A_157 : i32
        %and3A_159 = arith.andi %and3A_156, %lt3A_158 : i1
        %convert_element_type3A_160 = arith.extui %and3A_159 : i1 to i32
        %cond3A_161 = arith.constant 0 : i32
        %cond3A_162 = arith.cmpi ne, %convert_element_type3A_160, %cond3A_161 : i32
        scf.if %cond3A_162 {
          %scan3A_169 = arith.constant 0 : i32
          %scan3A_170 = arith.constant 0 : i32
          %scan3A_171 = arith.constant 128 : i32
          %scan3A_172 = arith.addi %scan3A_170, %scan3A_171 : i32
          %scan3A_173 = arith.constant 1 : i32
          scf.for %scan3A_175 = %scan3A_170 to %scan3A_172 step %scan3A_173  : i32 {
            %mul3A_176 = arith.constant 16 : i32
            %mul3A_177 = arith.muli %scan3A_175, %mul3A_176 : i32
            %get3A_178 = arith.index_cast %while3A_151 : i32 to index
            %get3A_179 = arith.index_cast %mul3A_177 : i32 to index
            %get3A_180 = tpu.vector_load %arg11[%get3A_178, %get3A_179] {strides = array<i32>} : memref<16x2048xf32, #tpu.memory_space<vmem>>, vector<1x16xf32>,
            %get3A_181 = vector.shape_cast %get3A_180 : vector<1x16xf32> to vector<16xf32>
            %sub3A_182 = arith.subi %get3A_152, %add3A_122 : i32
            %mul3A_183 = arith.constant 16 : i32
            %mul3A_184 = arith.muli %scan3A_175, %mul3A_183 : i32
            %swap3A_185 = arith.index_cast %sub3A_182 : i32 to index
            %swap3A_186 = arith.index_cast %mul3A_184 : i32 to index
            %swap3A_187 = tpu.vector_load %arg10[%swap3A_185, %swap3A_186] {strides = array<i32>} : memref<16x2048xf32, #tpu.memory_space<vmem>>, vector<1x16xf32>,
            %swap3A_188 = vector.shape_cast %swap3A_187 : vector<1x16xf32> to vector<16xf32>
            %swap3A_189 = vector.shape_cast %get3A_181 : vector<16xf32> to vector<1x16xf32>
            tpu.vector_store %arg10[%swap3A_185, %swap3A_186], %swap3A_189 {strides = array<i32>} : memref<16x2048xf32, #tpu.memory_space<vmem>>, vector<1x16xf32>,
          }
          %scan3A_174 = arith.constant 128 : i32
        } else {
        }
        %ge3A_163 = arith.constant 16 : i32
        %ge3A_164 = arith.cmpi sge, %while3A_151, %ge3A_163 : i32
        %and3A_165 = arith.andi %and3A_156, %ge3A_164 : i1
        %convert_element_type3A_166 = arith.extui %and3A_165 : i1 to i32
        %cond3A_167 = arith.constant 0 : i32
        %cond3A_168 = arith.cmpi ne, %convert_element_type3A_166, %cond3A_167 : i32
        scf.if %cond3A_168 {
          %get3A_169 = arith.index_cast %while3A_151 : i32 to index
          %get3A_170 = memref.load %arg13[%get3A_169] : memref<64xi32, #tpu.memory_space<smem>>
          %sub3A_171 = arith.subi %get3A_152, %add3A_122 : i32
          "tpu.region"() ({
            %run_scoped3A = tpu.sem_alloc : memref<!tpu.dma_semaphore, #tpu.memory_space<semaphore_mem>>
            %dma_start3A_172 = arith.constant 0 : i32
            %dma_start3A_173 = tpu.memref_slice %arg10[%sub3A_171, %dma_start3A_172] : memref<16x2048xf32, #tpu.memory_space<vmem>> -> memref<1x2048xf32, #tpu.memory_space<vmem>>
            %dma_start3A_174 = tpu.memref_squeeze %dma_start3A_173 : memref<1x2048xf32, #tpu.memory_space<vmem>> -> memref<2048xf32, #tpu.memory_space<vmem>>
            %dma_start3A_175 = arith.constant 0 : i32
            %dma_start3A_176 = tpu.memref_slice %arg3[%get3A_170, %dma_start3A_175] : memref<256x2048xf32, #tpu.memory_space<hbm>> -> memref<1x2048xf32, #tpu.memory_space<hbm>>
            %dma_start3A_177 = tpu.memref_squeeze %dma_start3A_176 : memref<1x2048xf32, #tpu.memory_space<hbm>> -> memref<2048xf32, #tpu.memory_space<hbm>>
            %dma_start3A_178 = arith.constant 0 : i32
            %dma_start3A_179 = tpu.memref_slice %arg10[%sub3A_171, %dma_start3A_178] : memref<16x2048xf32, #tpu.memory_space<vmem>> -> memref<1x2048xf32, #tpu.memory_space<vmem>>
            %dma_start3A_180 = tpu.memref_squeeze %dma_start3A_179 : memref<1x2048xf32, #tpu.memory_space<vmem>> -> memref<2048xf32, #tpu.memory_space<vmem>>
            %dma_start3A_181 = arith.constant 0 : i32
            %dma_start3A_182 = tpu.memref_slice %arg3[%get3A_170, %dma_start3A_181] : memref<256x2048xf32, #tpu.memory_space<hbm>> -> memref<1x2048xf32, #tpu.memory_space<hbm>>
            %dma_start3A_183 = tpu.memref_squeeze %dma_start3A_182 : memref<1x2048xf32, #tpu.memory_space<hbm>> -> memref<2048xf32, #tpu.memory_space<hbm>>
            tpu.enqueue_dma source(%dma_start3A_183 : memref<2048xf32, #tpu.memory_space<hbm>>) target(%dma_start3A_180 : memref<2048xf32, #tpu.memory_space<vmem>>) target_semaphore(%run_scoped3A : memref<!tpu.dma_semaphore, #tpu.memory_space<semaphore_mem>>)
            %dma_wait3A_184 = arith.constant 0 : i32
            %dma_wait3A_185 = tpu.memref_slice %arg10[%sub3A_171, %dma_wait3A_184] : memref<16x2048xf32, #tpu.memory_space<vmem>> -> memref<1x2048xf32, #tpu.memory_space<vmem>>
            %dma_wait3A_186 = tpu.memref_squeeze %dma_wait3A_185 : memref<1x2048xf32, #tpu.memory_space<vmem>> -> memref<2048xf32, #tpu.memory_space<vmem>>
            %dma_wait3A_187 = arith.constant 0 : i32
            %dma_wait3A_188 = tpu.memref_slice %arg3[%get3A_170, %dma_wait3A_187] : memref<256x2048xf32, #tpu.memory_space<hbm>> -> memref<1x2048xf32, #tpu.memory_space<hbm>>
            %dma_wait3A_189 = tpu.memref_squeeze %dma_wait3A_188 : memref<1x2048xf32, #tpu.memory_space<hbm>> -> memref<2048xf32, #tpu.memory_space<hbm>>
            %dma_wait3A_190 = arith.constant 0 : i32
            %dma_wait3A_191 = tpu.memref_slice %arg10[%sub3A_171, %dma_wait3A_190] : memref<16x2048xf32, #tpu.memory_space<vmem>> -> memref<1x2048xf32, #tpu.memory_space<vmem>>
            %dma_wait3A_192 = tpu.memref_squeeze %dma_wait3A_191 : memref<1x2048xf32, #tpu.memory_space<vmem>> -> memref<2048xf32, #tpu.memory_space<vmem>>
            %dma_wait3A_193 = arith.constant 0 : i32
            %dma_wait3A_194 = tpu.memref_slice %arg3[%get3A_170, %dma_wait3A_193] : memref<256x2048xf32, #tpu.memory_space<hbm>> -> memref<1x2048xf32, #tpu.memory_space<hbm>>
            %dma_wait3A_195 = tpu.memref_squeeze %dma_wait3A_194 : memref<1x2048xf32, #tpu.memory_space<hbm>> -> memref<2048xf32, #tpu.memory_space<hbm>>
            tpu.wait_dma2 semaphore(%run_scoped3A : memref<!tpu.dma_semaphore, #tpu.memory_space<semaphore_mem>>) src(%dma_wait3A_195 : memref<2048xf32, #tpu.memory_space<hbm>>) dst(%dma_wait3A_192 : memref<2048xf32, #tpu.memory_space<vmem>>)
            tpu.yield
          }) : () -> ()
        } else {
        }
      }
      %while3A_132 = arith.constant 1 : i32
      scf.for %while3A_151 = %while3A_130 to %while3A_126 step %while3A_132  : i32 {
        %get3A = arith.index_cast %while3A_151 : i32 to index
        %get3A_152 = memref.load %arg12[%get3A] : memref<64xi32, #tpu.memory_space<smem>>
        %ge3A = arith.cmpi sge, %get3A_152, %add3A_122 : i32
        %add3A_153 = arith.constant 16 : i32
        %add3A_154 = arith.addi %add3A_122, %add3A_153 : i32
        %lt3A_155 = arith.cmpi slt, %get3A_152, %add3A_154 : i32
        %and3A_156 = arith.andi %ge3A, %lt3A_155 : i1
        %lt3A_157 = arith.constant 16 : i32
        %lt3A_158 = arith.cmpi slt, %while3A_151, %lt3A_157 : i32
        %and3A_159 = arith.andi %and3A_156, %lt3A_158 : i1
        %convert_element_type3A_160 = arith.extui %and3A_159 : i1 to i32
        %cond3A_161 = arith.constant 0 : i32
        %cond3A_162 = arith.cmpi ne, %convert_element_type3A_160, %cond3A_161 : i32
        scf.if %cond3A_162 {
          %scan3A_169 = arith.constant 0 : i32
          %scan3A_170 = arith.constant 0 : i32
          %scan3A_171 = arith.constant 128 : i32
          %scan3A_172 = arith.addi %scan3A_170, %scan3A_171 : i32
          %scan3A_173 = arith.constant 1 : i32
          scf.for %scan3A_175 = %scan3A_170 to %scan3A_172 step %scan3A_173  : i32 {
            %mul3A_176 = arith.constant 16 : i32
            %mul3A_177 = arith.muli %scan3A_175, %mul3A_176 : i32
            %get3A_178 = arith.index_cast %while3A_151 : i32 to index
            %get3A_179 = arith.index_cast %mul3A_177 : i32 to index
            %get3A_180 = tpu.vector_load %arg11[%get3A_178, %get3A_179] {strides = array<i32>} : memref<16x2048xf32, #tpu.memory_space<vmem>>, vector<1x16xf32>,
            %get3A_181 = vector.shape_cast %get3A_180 : vector<1x16xf32> to vector<16xf32>
            %sub3A_182 = arith.subi %get3A_152, %add3A_122 : i32
            %mul3A_183 = arith.constant 16 : i32
            %mul3A_184 = arith.muli %scan3A_175, %mul3A_183 : i32
            %swap3A_185 = arith.index_cast %sub3A_182 : i32 to index
            %swap3A_186 = arith.index_cast %mul3A_184 : i32 to index
            %swap3A_187 = tpu.vector_load %arg10[%swap3A_185, %swap3A_186] {strides = array<i32>} : memref<16x2048xf32, #tpu.memory_space<vmem>>, vector<1x16xf32>,
            %swap3A_188 = vector.shape_cast %swap3A_187 : vector<1x16xf32> to vector<16xf32>
            %swap3A_189 = vector.shape_cast %get3A_181 : vector<16xf32> to vector<1x16xf32>
            tpu.vector_store %arg10[%swap3A_185, %swap3A_186], %swap3A_189 {strides = array<i32>} : memref<16x2048xf32, #tpu.memory_space<vmem>>, vector<1x16xf32>,
          }
          %scan3A_174 = arith.constant 128 : i32
        } else {
        }
        %ge3A_163 = arith.constant 16 : i32
        %ge3A_164 = arith.cmpi sge, %while3A_151, %ge3A_163 : i32
        %and3A_165 = arith.andi %and3A_156, %ge3A_164 : i1
        %convert_element_type3A_166 = arith.extui %and3A_165 : i1 to i32
        %cond3A_167 = arith.constant 0 : i32
        %cond3A_168 = arith.cmpi ne, %convert_element_type3A_166, %cond3A_167 : i32
        scf.if %cond3A_168 {
          %get3A_169 = arith.index_cast %while3A_151 : i32 to index
          %get3A_170 = memref.load %arg13[%get3A_169] : memref<64xi32, #tpu.memory_space<smem>>
          %sub3A_171 = arith.subi %get3A_152, %add3A_122 : i32
          "tpu.region"() ({
            %run_scoped3A = tpu.sem_alloc : memref<!tpu.dma_semaphore, #tpu.memory_space<semaphore_mem>>
            %dma_start3A_172 = arith.constant 0 : i32
            %dma_start3A_173 = tpu.memref_slice %arg10[%sub3A_171, %dma_start3A_172] : memref<16x2048xf32, #tpu.memory_space<vmem>> -> memref<1x2048xf32, #tpu.memory_space<vmem>>
            %dma_start3A_174 = tpu.memref_squeeze %dma_start3A_173 : memref<1x2048xf32, #tpu.memory_space<vmem>> -> memref<2048xf32, #tpu.memory_space<vmem>>
            %dma_start3A_175 = arith.constant 0 : i32
            %dma_start3A_176 = tpu.memref_slice %arg3[%get3A_170, %dma_start3A_175] : memref<256x2048xf32, #tpu.memory_space<hbm>> -> memref<1x2048xf32, #tpu.memory_space<hbm>>
            %dma_start3A_177 = tpu.memref_squeeze %dma_start3A_176 : memref<1x2048xf32, #tpu.memory_space<hbm>> -> memref<2048xf32, #tpu.memory_space<hbm>>
            %dma_start3A_178 = arith.constant 0 : i32
            %dma_start3A_179 = tpu.memref_slice %arg10[%sub3A_171, %dma_start3A_178] : memref<16x2048xf32, #tpu.memory_space<vmem>> -> memref<1x2048xf32, #tpu.memory_space<vmem>>
            %dma_start3A_180 = tpu.memref_squeeze %dma_start3A_179 : memref<1x2048xf32, #tpu.memory_space<vmem>> -> memref<2048xf32, #tpu.memory_space<vmem>>
            %dma_start3A_181 = arith.constant 0 : i32
            %dma_start3A_182 = tpu.memref_slice %arg3[%get3A_170, %dma_start3A_181] : memref<256x2048xf32, #tpu.memory_space<hbm>> -> memref<1x2048xf32, #tpu.memory_space<hbm>>
            %dma_start3A_183 = tpu.memref_squeeze %dma_start3A_182 : memref<1x2048xf32, #tpu.memory_space<hbm>> -> memref<2048xf32, #tpu.memory_space<hbm>>
            tpu.enqueue_dma source(%dma_start3A_183 : memref<2048xf32, #tpu.memory_space<hbm>>) target(%dma_start3A_180 : memref<2048xf32, #tpu.memory_space<vmem>>) target_semaphore(%run_scoped3A : memref<!tpu.dma_semaphore, #tpu.memory_space<semaphore_mem>>)
            %dma_wait3A_184 = arith.constant 0 : i32
            %dma_wait3A_185 = tpu.memref_slice %arg10[%sub3A_171, %dma_wait3A_184] : memref<16x2048xf32, #tpu.memory_space<vmem>> -> memref<1x2048xf32, #tpu.memory_space<vmem>>
            %dma_wait3A_186 = tpu.memref_squeeze %dma_wait3A_185 : memref<1x2048xf32, #tpu.memory_space<vmem>> -> memref<2048xf32, #tpu.memory_space<vmem>>
            %dma_wait3A_187 = arith.constant 0 : i32
            %dma_wait3A_188 = tpu.memref_slice %arg3[%get3A_170, %dma_wait3A_187] : memref<256x2048xf32, #tpu.memory_space<hbm>> -> memref<1x2048xf32, #tpu.memory_space<hbm>>
            %dma_wait3A_189 = tpu.memref_squeeze %dma_wait3A_188 : memref<1x2048xf32, #tpu.memory_space<hbm>> -> memref<2048xf32, #tpu.memory_space<hbm>>
            %dma_wait3A_190 = arith.constant 0 : i32
            %dma_wait3A_191 = tpu.memref_slice %arg10[%sub3A_171, %dma_wait3A_190] : memref<16x2048xf32, #tpu.memory_space<vmem>> -> memref<1x2048xf32, #tpu.memory_space<vmem>>
            %dma_wait3A_192 = tpu.memref_squeeze %dma_wait3A_191 : memref<1x2048xf32, #tpu.memory_space<vmem>> -> memref<2048xf32, #tpu.memory_space<vmem>>
            %dma_wait3A_193 = arith.constant 0 : i32
            %dma_wait3A_194 = tpu.memref_slice %arg3[%get3A_170, %dma_wait3A_193] : memref<256x2048xf32, #tpu.memory_space<hbm>> -> memref<1x2048xf32, #tpu.memory_space<hbm>>
            %dma_wait3A_195 = tpu.memref_squeeze %dma_wait3A_194 : memref<1x2048xf32, #tpu.memory_space<hbm>> -> memref<2048xf32, #tpu.memory_space<hbm>>
            tpu.wait_dma2 semaphore(%run_scoped3A : memref<!tpu.dma_semaphore, #tpu.memory_space<semaphore_mem>>) src(%dma_wait3A_195 : memref<2048xf32, #tpu.memory_space<hbm>>) dst(%dma_wait3A_192 : memref<2048xf32, #tpu.memory_space<vmem>>)
            tpu.yield
          }) : () -> ()
        } else {
        }
      }
      %mul3A_133 = arith.constant 16 : i32
      %mul3A_134 = arith.muli %add3A_113, %mul3A_133 : i32
      %add3A_135 = arith.addi %mul3A_2, %mul3A_134 : i32
      %dma_start3A_136 = arith.constant 0 : i32
      %dma_start3A_137 = tpu.memref_slice %arg6[%add3A_135, %dma_start3A_136] : memref<16384x2048xf32, #tpu.memory_space<hbm>> -> memref<16x2048xf32, #tpu.memory_space<hbm>>
      %dma_start3A_138 = arith.constant 0 : i32
      %dma_start3A_139 = tpu.memref_slice %arg6[%add3A_135, %dma_start3A_138] : memref<16384x2048xf32, #tpu.memory_space<hbm>> -> memref<16x2048xf32, #tpu.memory_space<hbm>>
      tpu.enqueue_dma source(%arg10 : memref<16x2048xf32, #tpu.memory_space<vmem>>) target(%dma_start3A_139 : memref<16x2048xf32, #tpu.memory_space<hbm>>) target_semaphore(%arg17 : memref<!tpu.dma_semaphore, #tpu.memory_space<semaphore_mem>>)
      %dma_wait3A_140 = arith.constant 0 : i32
      %dma_wait3A_141 = tpu.memref_slice %arg6[%mul3A_2, %dma_wait3A_140] : memref<16384x2048xf32, #tpu.memory_space<hbm>> -> memref<16x2048xf32, #tpu.memory_space<hbm>>
      %dma_wait3A_142 = arith.constant 0 : i32
      %dma_wait3A_143 = tpu.memref_slice %arg6[%mul3A_2, %dma_wait3A_142] : memref<16384x2048xf32, #tpu.memory_space<hbm>> -> memref<16x2048xf32, #tpu.memory_space<hbm>>
      tpu.wait_dma2 semaphore(%arg17 : memref<!tpu.dma_semaphore, #tpu.memory_space<semaphore_mem>>) src(%arg10 : memref<16x2048xf32, #tpu.memory_space<vmem>>) dst(%dma_wait3A_143 : memref<16x2048xf32, #tpu.memory_space<hbm>>)
      %add3A_144 = arith.constant 2 : i32
      %add3A_145 = arith.addi %add3A_113, %add3A_144 : i32
      %lt3A_146 = arith.constant 32 : i32
      %lt3A_147 = arith.cmpi slt, %add3A_145, %lt3A_146 : i32
      %convert_element_type3A_148 = arith.extui %lt3A_147 : i1 to i32
      %cond3A_149 = arith.constant 0 : i32
      %cond3A_150 = arith.cmpi ne, %convert_element_type3A_148, %cond3A_149 : i32
      scf.if %cond3A_150 {
        %add3A_151 = arith.constant 2 : i32
        %add3A_152 = arith.addi %add3A_113, %add3A_151 : i32
        %mul3A_153 = arith.constant 16 : i32
        %mul3A_154 = arith.muli %add3A_152, %mul3A_153 : i32
        %dma_start3A_155 = tpu.memref_slice %arg7[%mul3A_154] : memref<512xi32, #tpu.memory_space<vmem>> -> memref<16xi32, #tpu.memory_space<vmem>>
        %dma_start3A_156 = arith.constant 0 : i32
        %dma_start3A_157 = arith.constant 0 : i32
        %dma_start3A_158 = tpu.memref_slice %arg5[%dma_start3A_156, %dma_start3A_157] : memref<100000x2048xf32, #tpu.memory_space<hbm>> -> memref<100000x2048xf32, #tpu.memory_space<hbm>>
        tpu.enqueue_indirect_dma source(%dma_start3A_158 : memref<100000x2048xf32, #tpu.memory_space<hbm>>) target(%arg10 : memref<16x2048xf32, #tpu.memory_space<vmem>>) offsets(%dma_start3A_155 : memref<16xi32, #tpu.memory_space<vmem>>) semaphore(%arg15 : memref<!tpu.dma_semaphore, #tpu.memory_space<semaphore_mem>>)
      } else {
      }
    }
    %scan3A_70 = arith.constant 16 : i32
    return
  }
}

</mosaic_0001>

<sc_bundles>
// kernel: kernel.3.cloned.1.call-start
scs
__scs_entry_jumppad:
0x0: {  	(pc) =	sbr.rel $0x88, $3  }
0x1: {  	(tag) =	ssettag $0x0;
	lr =	simm.s32 $0x1  }
0x2: {  	[smem:$0x3F9D] =	sst lr;
	_ =	strace $0xD0000000  }
0x3: {  	_ = 	snop  }
0x4: {  	_ = 	snop  }
0x5: {  	_ = 	snop  }
0x6: {  	_ = 	snop  }
0x7: {  	_ = 	snop  }
__scs_overlays_trampoline_lowered:
0x8: {  	[smem:$0x3FAC] =	sst s0  }
0x9: {  	[smem:$0x3FAD] =	sst s1  }
0xa: {  	[smem:$0x3FAE] =	sst s2  }
0xb: {  	[smem:$0x3FAF] =	sst s3  }
0xc: {  	[smem:$0x3FB0] =	sst s4  }
0xd: {  	[smem:$0x3FB1] =	sst s5  }
0xe: {  	[smem:$0x3FB2] =	sst s6  }
0xf: {  	[smem:$0x3FB3] =	sst s7  }
0x10: {  	[smem:$0x3FB4] =	sst s8  }
0x11: {  	[smem:$0x3FB5] =	sst s9;
	s0 =	simm.s32 @!p0 $0x0  }
0x12: {  	s1 =	sld [smem:$0x3F9B];
	s0 =	simm.s32 @p0 $0x1  }
0x13: {  	[smem:$0x3FB6] =	sst s0;
	s0 =	simm.s32 @!p1 $0x0  }
0x14: {  	s2 =	sld [smem:$0x3F9A];
	s0 =	simm.s32 @p1 $0x1  }
0x15: {  	[smem:$0x3FB7] =	sst s0;
	s0 =	simm.s32 @!p2 $0x0  }
0x16: {  	s3 =	sld [smem:$0x3FDB];
	s0 =	simm.s32 @p2 $0x1  }
0x17: {  	s4 =	simm.s32 $0x1BF5;
	[smem:$0x3FB9] =	sst s0  }
0x18: {  	s0 =	sld [smem:$0x3F9C];
	_ =	swait.ge [sflag:s4], $0x0  }
0x19: {  	s7 =	sld [smem:$0x3F9D]  }
0x1a: {  	s8 =	sadd.s32 $0xFFFFE003, lr  }
0x1b: {  	s9 =	sadd.s32 $0xFFFFFEF7, lr;
	s5 =	simm.s32 $0xFFFFFFFF;
	p2 =	slt.u32 s8, $0xFFFFF086  }
0x1c: {  	p1 =	slt.u32 s9, $0xF7A;
	s5 =	simm.s32 @!p2 $0x0  }
0x1d: {  	s5 =	simm.s32 @p1 $0x1;
	p0 =	seq.s32 s7, s2  }
0x1e: {  	s7 =	smul.u32 @!p0 $0xF7A, s2;
	p2 =	seq.s32 @!p0 s5, $0x0  }
0x1f: {  	s9 =	smul.u32 $0xF7A, s1;
	s8 =	simm.s32 @!p0 $0x1BF5;
	p2 =	por !p2, p0  }
0x20: {  	[sflag:s8] =	ssyncset.s32 @!p0 $0xFFFFF086;
	s6 =	sadd.s32 @!p0 s3, s7;
	s7 =	simm.s32 @!p0 $0x108  }
0x21: {  	s3 =	sadd.s32 s3, s9;
	s6 =	sadd.s32 @!p0 $0x88, s6;
	s7 =	simm.s32 @p2 $0x1082  }
0x22: {  	[simem:s7], [sflag:s8] =	dma.local @!p0 [hbm:s6], $0xF7A  }
0x23: {  	s9 =	sor.u32 $0xD0000000, s2;
	s6 =	simm.s32 $0x108;
	_ =	swait.ge @!p0 [sflag:s8], $0x0  }
0x24: {  	s3 =	sadd.s32 $0x88, s3;
	s6 =	simm.s32 @!p1 $0x1082;
	[sflag:s4] =	ssyncset.s32 $0xFFFFF086  }
0x25: {  	[simem:s6], [sflag:s4] =	dma.local [hbm:s3], $0xF7A  }
0x26: {  	[smem:$0x3F9D] =	sst s1;
	(tag) =	ssettag s2;
	_ =	strace s9  }
0x27: {  	s1 =	sld [smem:$0x3FAD]  }
0x28: {  	s2 =	sld [smem:$0x3FAE]  }
0x29: {  	s4 =	sld [smem:$0x3FB0]  }
0x2a: {  	p0 =	seq.s32 s5, $0x0;
	s5 =	sld [smem:$0x3FB1]  }
0x2b: {  	s6 =	sld [smem:$0x3FB2]  }
0x2c: {  	s7 =	sld [smem:$0x3FB3]  }
0x2d: {  	s3 =	simm.s32 $0x108;
	s8 =	sld [smem:$0x3FB4]  }
0x2e: {  	s3 =	simm.s32 @!p0 $0x1082;
	s9 =	sld [smem:$0x3FB5]  }
0x2f: {  	lr =	sadd.s32 s0, s3;
	s0 =	sld [smem:$0x3FAC]  }
0x30: {  	s3 =	sld [smem:$0x3FAF]  }
0x31: {  	[smem:$0x3FB8] =	sst s10  }
0x32: {  	s10 =	sld [smem:$0x3FB6];
	_ =	sdelay $0x3  }
0x33: {  	p0 =	seq.s32 s10, $0x1;
	s10 =	sld [smem:$0x3FB8];
	_ =	sdelay $0x3  }
0x34: {  	[smem:$0x3FB8] =	sst s10  }
0x35: {  	s10 =	sld [smem:$0x3FB7];
	_ =	sdelay $0x3  }
0x36: {  	p1 =	seq.s32 s10, $0x1;
	s10 =	sld [smem:$0x3FB8];
	_ =	sdelay $0x3  }
0x37: {  	[smem:$0x3FB8] =	sst s10  }
0x38: {  	s10 =	sld [smem:$0x3FB9]  }
0x39: {  	_ = 	snop;
	(pc) =	sbr.ind lr, $3  }
0x3a: {  	_ = 	snop  }
0x3b: {  	_ = 	snop  }
0x3c: {  	p2 =	seq.s32 s10, $0x1;
	s10 =	sld [smem:$0x3FB8]  }
0x3d: {  	_ =	shalt  }
0x3e: {  	_ =	shalt  }
0x3f: {  	_ =	shalt  }
0x40: {  	_ =	shalt  }
0x41: {  	_ =	shalt  }
0x42: {  	_ =	shalt  }
0x43: {  	_ =	shalt  }
0x44: {  	_ =	shalt  }
0x45: {  	_ =	shalt  }
0x46: {  	_ =	shalt  }
0x47: {  	_ =	shalt  }
0x48: {  	_ =	shalt  }
0x49: {  	_ =	shalt  }
0x4a: {  	_ =	shalt  }
0x4b: {  	_ =	shalt  }
0x4c: {  	_ =	shalt  }
0x4d: {  	_ =	shalt  }
0x4e: {  	_ =	shalt  }
0x4f: {  	_ =	shalt  }
0x50: {  	_ =	shalt  }
0x51: {  	_ =	shalt  }
0x52: {  	_ =	shalt  }
0x53: {  	_ =	shalt  }
0x54: {  	_ =	shalt  }
0x55: {  	_ =	shalt  }
0x56: {  	_ =	shalt  }
0x57: {  	_ =	shalt  }
0x58: {  	_ =	shalt  }
0x59: {  	_ =	shalt  }
0x5a: {  	_ =	shalt  }
0x5b: {  	_ =	shalt  }
0x5c: {  	_ =	shalt  }
0x5d: {  	_ =	shalt  }
0x5e: {  	_ =	shalt  }
0x5f: {  	_ =	shalt  }
0x60: {  	_ =	shalt  }
0x61: {  	_ =	shalt  }
0x62: {  	_ =	shalt  }
0x63: {  	_ =	shalt  }
0x64: {  	_ =	shalt  }
0x65: {  	_ =	shalt  }
0x66: {  	_ =	shalt  }
0x67: {  	_ =	shalt  }
0x68: {  	_ =	shalt  }
0x69: {  	_ =	shalt  }
0x6a: {  	_ =	shalt  }
0x6b: {  	_ =	shalt  }
0x6c: {  	_ =	shalt  }
0x6d: {  	_ =	shalt  }
0x6e: {  	_ =	shalt  }
0x6f: {  	_ =	shalt  }
0x70: {  	_ =	shalt  }
0x71: {  	_ =	shalt  }
0x72: {  	_ =	shalt  }
0x73: {  	_ =	shalt  }
0x74: {  	_ =	shalt  }
0x75: {  	_ =	shalt  }
0x76: {  	_ =	shalt  }
0x77: {  	_ =	shalt  }
0x78: {  	_ =	shalt  }
0x79: {  	_ =	shalt  }
0x7a: {  	_ =	shalt  }
0x7b: {  	_ =	shalt  }
0x7c: {  	_ =	shalt  }
0x7d: {  	_ =	shalt  }
0x7e: {  	_ =	shalt  }
0x7f: {  	_ =	shalt  }
0x80: {  	_ =	shalt  }
0x81: {  	_ =	shalt  }
0x82: {  	_ =	shalt  }
0x83: {  	_ =	shalt  }
0x84: {  	_ =	shalt  }
0x85: {  	_ =	shalt  }
0x86: {  	_ =	shalt  }
0x87: {  	_ =	shalt  }
.Lfunc_end0:
.L_simem_size_0:
called_computation_lowered:
.L_overlay_start_0:
0x88: {  	s2 =	sld [smem:$0x3FD9]  }
0x89: {  	s3 =	sld [smem:$0x3FFE];
	_ =	sdelay $0x1  }
0x8a: {  	s1 =	srdreg.scid  }
0x8b: {  	s0 =	sand.u32 $0x1, s1  }
0x8c: {  	s17 =	sshll.u32 s0, $0xA;
	s2 =	sadd.s32 s3, s2  }
0x8d: {  	s2 =	sadd.s32 s2, s17  }
0x8e: {  	[smem:$0x3FC4] =	sst s2  }
0x8f: {  	_ = 	snop  }
0x90: {  	s2 =	sld [smem:$0x3FC8]  }
0x91: {  	s18 =	sld [smem:$0x3FC6]  }
0x92: {  	s4 =	sld [smem:$0x3FD0];
	(tm) =	ssettm $0x1  }
0x93: {  	s5 =	sld [smem:$0x3FFB];
	_ =	sdelay $0x3  }
0x94: {  	_ =	strace s5  }
0x95: {  	s5 =	sld [smem:$0x3FFC];
	_ =	sdelay $0x3  }
0x96: {  	_ =	strace s5  }
0x97: {  	s5 =	sld [smem:$0x3FFD];
	_ =	sdelay $0x3  }
0x98: {  	_ =	strace s5  }
0x99: {  	_ =	strace $0x8FFFFFFF  }
0x9a: {  	s19 =	sld [smem:$0x3FDB];
	_ =	sdelay $0x1  }
0x9b: {  	s6 =	simm.s32 $_scs_section_size  }
0x9c: {  	s7 =	simm.s32 $_size__tile_overlayer_lowered;
	s8 =	simm.s32 $_tile_overlayer_lowered  }
0x9d: {  	s22 =	simm.s32 $0x1BFF;
	s21 =	sshll.u32 s8, $0x1;
	s5 =	sadd.s32 s6, s19  }
0x9e: {  	s9 =	simm.s32 $0x0;
	s20 =	sshll.u32 s7, $0x1;
	s7 =	sadd.s32 s21, s5  }
0x9f: {  	[timem:s9], [sflag:s22] =	dma.local [hbm:s7], s20  }
0xa0: {  	_ =	swait.ge [sflag:s22], s20  }
0xa1: {  	s6 =	ssub.s32 $0x0, s20;
	[sflag:s22] =	ssyncset.done $0x0  }
0xa2: {  	[sflag:s22] =	ssyncadd.s32 s6;
	_ =	sdelay $0x1  }
0xa3: {  	s23 =	simm.s32 $0x1B8B  }
0xa4: {  	_ =	swait.ge [sflag:s23], $0x1  }
0xa5: {  	[sflag:s23] =	ssyncset.done $0x0  }
0xa6: {  	s25 =	simm.s32 $0x1B8E;
	s24 =	sld [smem:$0x3FFE];
	[sflag:s23] =	ssyncadd.s32 $0xFFFFFFFF  }
0xa7: {  	s26 =	simm.s32 $execute0_lowered;
	[smem:$0x3FD2] =	sst s25  }
0xa8: {  	s7 =	sshll.u32 s26, $0x1;
	_ =	strace $0x80000046;
	[dreg:$0x1] =	wrdreg $0xFFFFFFFF  }
0xa9: {  	s28 =	simm.s32 $_size_execute0_lowered;
	s5 =	sadd.s32 s5, s7;
	[dreg:$0x0] =	wrdreg $0x0  }
0xaa: {  	s7 =	sshll.u32 s28, $0x1;
	[dreg:$0x2] =	wrdreg s5  }
0xab: {  	[dreg:$0x3] =	wrdreg s7  }
0xac: {  	[dreg:$0x4] =	wrdreg $0xC0  }
0xad: {  	_ =	task [dreg:s9], $0x5FFFF  }
0xae: {  	[dreg:$0x1] =	wrdreg $0xFFFFFFFF  }
0xaf: {  	[dreg:$0x0] =	wrdreg $0x60  }
0xb0: {  	[dreg:$0x2] =	wrdreg s24  }
0xb1: {  	[dreg:$0x3] =	wrdreg s2  }
0xb2: {  	[dreg:$0x4] =	wrdreg s18  }
0xb3: {  	[dreg:$0x5] =	wrdreg s4  }
0xb4: {  	[dreg:$0x6] =	wrdreg $0x9  }
0xb5: {  	_ =	task.clear_ibuf [dreg:s9], $0x7FFFF;
	_ =	strace $0x90000046  }
0xb6: {  	s29 =	simm.s32 $0x9;
	_ =	strace $0x80000048  }
0xb7: {  	_ =	swait.ge [sflag:s29], $0x1  }
0xb8: {  	[sflag:s29] =	ssyncadd.s32 $0xFFFFFFFF  }
0xb9: {  	_ =	strace $0x90000048  }
0xba: {  	_ =	sfence  }
0xbb: {  	s30 =	sld [smem:$0x0];
	_ =	sdelay $0x2  }
0xbc: {  	s31 =	sshll.u32 s1, $0xD;
	s1 =	sshrl.u32 s1, $0x2  }
0xbd: {  	s3 =	sand.u32 $0x4000, s31;
	s1 =	sadd.s32 s1, s30  }
0xbe: {  	s0 =	sor.u32 s3, s0;
	s1 =	sshll.u32 s1, $0x11  }
0xbf: {  	s0 =	sor.u32 s1, s0  }
0xc0: {  	s0 =	sadd.s32 $0x8F2B, s0  }
0xc1: {  	[sflag:s0] =	ssyncadd.remote.s32 $0x1  }
0xc2: {  	_ =	sfence.sel $0xFFFF  }
0xc3: {  	[dreg:$0x0] =	wrdreg $0xFFFFFFFF;
	(pc) =	sbr.abs _section_cstart, $3  }
0xc4: {  	[dreg:$0x1] =	wrdreg $0xFFFFFFFF  }
0xc5: {  	_ =	task.clear_ibuf [dreg:s9], $0x2FFFF;
	_ =	strace $0x9FFFFFFF  }
0xc6: {  	(tm) =	ssettm $0x7FFFFFFF  }
0xc7: {  	_ =	shalt  }
tec
execute0_lowered:
.L_overlay_start_1:
0x0: {  	(tag) =	ssettag $0x1  }
0x1: {  	s0 =	rddreg [dreg:$0x0]  }
0x2: {  	s1 =	rddreg [dreg:$0x1]  }
0x3: {  	s26 =	rddreg [dreg:$0x2];
	s5 =	simm.s32 $0x0  }
0x4: {  	s3 =	srdreg.scid;
	s2 =	stileid.u32;
	s29 =	simm.s32 $0x5  }
0x5: {  	[smem:$0x7FF] =	sst s5;
	s3 =	sand.u32 $0x1, s3;
	s4 =	sshll.u32 s2, $0x1  }
0x6: {  	s7 =	sshrl.u32 s2, $0x2;
	s31 =	sadd.s32 $0x100, s26;
	s10 =	sadd.s32 $0x300, s26  }
0x7: {  	s11 =	sadd.s32 $0x400, s26;
	s13 =	sadd.s32 $0x500, s26;
	s14 =	sadd.s32 $0x600, s26  }
0x8: {  	s15 =	sadd.s32 $0x700, s26;
	s2 =	simm.s32 $0x8280;
	_ =	strace $0x80000047  }
0x9: {  	s4 =	sor.u32 s3, s4;
	s3 =	ssub.s32 $0x2, s3;
	s20 =	sshll.u32 s7, $0x3  }
0xa: {  	s23 =	sshll.u32 s7, $0xC;
	s24 =	sshll.u32 s7, $0x6;
	[dreg:$0x9] =	wrdreg s31  }
0xb: {  	s28 =	sshll.u32 s7, $0xE;
	s6 =	sshll.u32 s4, $0x6;
	[dreg:$0xa] =	wrdreg s24  }
0xc: {  	s9 =	sshrl.u32 s3, $0x1;
	s30 =	sshll.u32 s4, $0x9;
	[dreg:$0x6] =	wrdreg s23  }
0xd: {  	[dreg:$0xd] =	wrdreg s28;
	s8 =	sadd.s32 s6, s0;
	s12 =	sand.u32 $0xE00, s30  }
.Ltmp0:
0xe: {  	[dreg:$0x7] =	wrdreg s30;
	s21 =	sadd.s32 $0x600, s8;
	(pc) =	sbr.rel .LBB2_1-.Ltmp0, $4  }
0xf: {  	s0 =	sadd.s32 s20, s0;
	s22 =	sadd.s32 $0x200, s12;
	[dreg:$0x8] =	wrdreg s21  }
0x10: {  	v2 =	vlaneseq.u32;
	s3 =	ssub.s32 s3, s9;
	s0 =	sadd.s32 $0x400, s0;
	[dreg:$0x5] =	wrdreg s22  }
0x11: {  	vm0 =	vmmov $0xffff;
	v3 =	vimm.s32 $0xFFFFFFFF;
	v1 =	vshrl.u32 v2, $0x3;
	s9 =	sadd.s32 $0x200, s26;
	s25 =	smax.u32 s3, $0x1;
	[dreg:$0xb] =	wrdreg s0  }
0x12: {  	v0 =	vand.u32 $0x7, v2;
	v2 =	vor.u32 $0x8, v2;
	v1 =	vmul.u32 $0x8, v1;
	s20 =	simm.s32 $0x6;
	s3 =	simm.s32 $0x0;
	[dreg:$0xc] =	wrdreg s25  }
.LBB2_28:
0x13: {  	s3 =	rddreg [dreg:$0xe]  }
0x14: {  	s0 =	rddreg [dreg:$0xc];
	s3 =	sadd.s32 $0x1, s3  }
0x15: {  	p0 =	sne.s32 s3, s0  }
.Ltmp1:
0x16: {  	_ = 	snop;
	(pc) =	sbr.rel @!p0 .LBB2_29-.Ltmp1, $1  }
0x17: {  	_ =	sdelay $0x3  }
.LBB2_1:
0x18: {  	[dreg:$0xe] =	wrdreg s3  }
0x19: {  	s0 =	rddreg [dreg:$0x8]  }
0x1a: {  	[tilespmem:s5], [sflag:$0x6] =	stream.linear.gather [hbm4b:s0+s5], $0x200, $0x38;
	[tilespmem:$0x18280] =	vst v63  }
0x1b: {  	_ =	swait.ge [sflag:s20], $0x200  }
0x1c: {  	[sflag:s20] =	ssyncset.done $0x0  }
0x1d: {  	[sflag:s20] =	ssyncadd.s32 $0xFFFFFE00  }
0x1e: {  	v4 =	vld [tilespmem:$0x0];
	_ =	sdelay $0x4  }
0x1f: {  	v5 =	vshll.u32 v4, $0x4  }
0x20: {  	v4 =	vand.u32 $0x7, v4;
	v5 =	vand.u32 $0xFFFFFF80, v5  }
0x21: {  	v4 =	vor.u32 v4, v5  }
0x22: {  	v5 =	vperm.xlane v4, v0;
	_ =	sdelay $0x1  }
0x23: {  	v5 =	vadd.s32 v1, v5;
	_ =	sdelay $0x3  }
0x24: {  	s30 =	simm.s32 $0x280  }
0x25: {  	[tilespmem:s30], [sflag:$0x1] =	stream.indirect_vreg.gather [hbm4b:s26+s5], $0x80, v5, vm0, $0xb8;
	[tilespmem:$0x18280] =	vst v63  }
0x26: {  	s3 =	simm.s32 $0xA80  }
0x27: {  	[tilespmem:s3], [sflag:$0x1] =	stream.indirect_vreg.gather [hbm4b:s31+s5], $0x80, v5, vm0, $0xb8;
	[tilespmem:$0x18280] =	vst v63  }
0x28: {  	s4 =	simm.s32 $0x1280  }
0x29: {  	[tilespmem:s4], [sflag:$0x1] =	stream.indirect_vreg.gather [hbm4b:s9+s5], $0x80, v5, vm0, $0xb8;
	[tilespmem:$0x18280] =	vst v63  }
0x2a: {  	s6 =	simm.s32 $0x1A80  }
0x2b: {  	[tilespmem:s6], [sflag:$0x1] =	stream.indirect_vreg.gather [hbm4b:s10+s5], $0x80, v5, vm0, $0xb8;
	[tilespmem:$0x18280] =	vst v63  }
0x2c: {  	s7 =	simm.s32 $0x2280  }
0x2d: {  	[tilespmem:s7], [sflag:$0x1] =	stream.indirect_vreg.gather [hbm4b:s11+s5], $0x80, v5, vm0, $0xb8;
	[tilespmem:$0x18280] =	vst v63  }
0x2e: {  	s8 =	simm.s32 $0x2A80;
	v4 =	vperm.xlane v4, v2  }
0x2f: {  	[tilespmem:s8], [sflag:$0x1] =	stream.indirect_vreg.gather [hbm4b:s13+s5], $0x80, v5, vm0, $0xb8;
	[tilespmem:$0x18280] =	vst v63  }
0x30: {  	s16 =	simm.s32 $0x3280;
	v4 =	vadd.s32 v1, v4  }
0x31: {  	[tilespmem:s16], [sflag:$0x1] =	stream.indirect_vreg.gather [hbm4b:s14+s5], $0x80, v5, vm0, $0xb8;
	[tilespmem:$0x18280] =	vst v63  }
0x32: {  	s17 =	simm.s32 $0x3A80  }
0x33: {  	[tilespmem:s17], [sflag:$0x1] =	stream.indirect_vreg.gather [hbm4b:s15+s5], $0x80, v5, vm0, $0xb8;
	[tilespmem:$0x18280] =	vst v63  }
0x34: {  	s18 =	simm.s32 $0x4280  }
0x35: {  	[tilespmem:s18], [sflag:$0x1] =	stream.indirect_vreg.gather [hbm4b:s26+s5], $0x80, v4, vm0, $0xb8;
	[tilespmem:$0x18280] =	vst v63  }
0x36: {  	s19 =	simm.s32 $0x4A80  }
0x37: {  	[tilespmem:s19], [sflag:$0x1] =	stream.indirect_vreg.gather [hbm4b:s31+s5], $0x80, v4, vm0, $0xb8;
	[tilespmem:$0x18280] =	vst v63  }
0x38: {  	s21 =	simm.s32 $0x5280  }
0x39: {  	[tilespmem:s21], [sflag:$0x1] =	stream.indirect_vreg.gather [hbm4b:s9+s5], $0x80, v4, vm0, $0xb8;
	[tilespmem:$0x18280] =	vst v63  }
0x3a: {  	s22 =	simm.s32 $0x5A80  }
0x3b: {  	[tilespmem:s22], [sflag:$0x1] =	stream.indirect_vreg.gather [hbm4b:s10+s5], $0x80, v4, vm0, $0xb8;
	[tilespmem:$0x18280] =	vst v63  }
0x3c: {  	s23 =	simm.s32 $0x6280  }
0x3d: {  	[tilespmem:s23], [sflag:$0x1] =	stream.indirect_vreg.gather [hbm4b:s11+s5], $0x80, v4, vm0, $0xb8;
	[tilespmem:$0x18280] =	vst v63  }
0x3e: {  	s24 =	simm.s32 $0x6A80  }
0x3f: {  	[tilespmem:s24], [sflag:$0x1] =	stream.indirect_vreg.gather [hbm4b:s13+s5], $0x80, v4, vm0, $0xb8;
	[tilespmem:$0x18280] =	vst v63  }
0x40: {  	s25 =	simm.s32 $0x7280  }
0x41: {  	[tilespmem:s25], [sflag:$0x1] =	stream.indirect_vreg.gather [hbm4b:s14+s5], $0x80, v4, vm0, $0xb8;
	[tilespmem:$0x18280] =	vst v63  }
0x42: {  	s28 =	simm.s32 $0x7A80  }
0x43: {  	[tilespmem:s28], [sflag:$0x1] =	stream.indirect_vreg.gather [hbm4b:s15+s5], $0x80, v4, vm0, $0xb8;
	[tilespmem:$0x18280] =	vst v63  }
0x44: {  	v4 =	vld [tilespmem:$0x10];
	_ =	sdelay $0x4  }
0x45: {  	v5 =	vshll.u32 v4, $0x4  }
0x46: {  	v4 =	vand.u32 $0x7, v4;
	v5 =	vand.u32 $0xFFFFFF80, v5  }
0x47: {  	v4 =	vor.u32 v4, v5  }
0x48: {  	v5 =	vperm.xlane v4, v0;
	_ =	sdelay $0x1  }
0x49: {  	v5 =	vadd.s32 v1, v5;
	_ =	sdelay $0x4  }
0x4a: {  	[tilespmem:s2], [sflag:$0x2] =	stream.indirect_vreg.gather [hbm4b:s26+s5], $0x80, v5, vm0, $0xb8;
	[tilespmem:$0x18280] =	vst v63  }
0x4b: {  	s30 =	simm.s32 $0x8A80  }
0x4c: {  	[tilespmem:s30], [sflag:$0x2] =	stream.indirect_vreg.gather [hbm4b:s31+s5], $0x80, v5, vm0, $0xb8;
	[tilespmem:$0x18280] =	vst v63  }
0x4d: {  	s2 =	simm.s32 $0x9280  }
0x4e: {  	[tilespmem:s2], [sflag:$0x2] =	stream.indirect_vreg.gather [hbm4b:s9+s5], $0x80, v5, vm0, $0xb8;
	[tilespmem:$0x18280] =	vst v63  }
0x4f: {  	s3 =	simm.s32 $0x9A80  }
0x50: {  	[tilespmem:s3], [sflag:$0x2] =	stream.indirect_vreg.gather [hbm4b:s10+s5], $0x80, v5, vm0, $0xb8;
	[tilespmem:$0x18280] =	vst v63  }
0x51: {  	s4 =	simm.s32 $0xA280  }
0x52: {  	[tilespmem:s4], [sflag:$0x2] =	stream.indirect_vreg.gather [hbm4b:s11+s5], $0x80, v5, vm0, $0xb8;
	[tilespmem:$0x18280] =	vst v63  }
0x53: {  	s6 =	simm.s32 $0xAA80;
	v4 =	vperm.xlane v4, v2  }
0x54: {  	[tilespmem:s6], [sflag:$0x2] =	stream.indirect_vreg.gather [hbm4b:s13+s5], $0x80, v5, vm0, $0xb8;
	[tilespmem:$0x18280] =	vst v63  }
0x55: {  	s7 =	simm.s32 $0xB280;
	v4 =	vadd.s32 v1, v4  }
0x56: {  	[tilespmem:s7], [sflag:$0x2] =	stream.indirect_vreg.gather [hbm4b:s14+s5], $0x80, v5, vm0, $0xb8;
	[tilespmem:$0x18280] =	vst v63  }
0x57: {  	s8 =	simm.s32 $0xBA80  }
0x58: {  	[tilespmem:s8], [sflag:$0x2] =	stream.indirect_vreg.gather [hbm4b:s15+s5], $0x80, v5, vm0, $0xb8;
	[tilespmem:$0x18280] =	vst v63  }
0x59: {  	s16 =	simm.s32 $0xC280  }
0x5a: {  	[tilespmem:s16], [sflag:$0x2] =	stream.indirect_vreg.gather [hbm4b:s26+s5], $0x80, v4, vm0, $0xb8;
	[tilespmem:$0x18280] =	vst v63  }
0x5b: {  	s17 =	simm.s32 $0xCA80  }
0x5c: {  	[tilespmem:s17], [sflag:$0x2] =	stream.indirect_vreg.gather [hbm4b:s31+s5], $0x80, v4, vm0, $0xb8;
	[tilespmem:$0x18280] =	vst v63  }
0x5d: {  	s18 =	simm.s32 $0xD280  }
0x5e: {  	[tilespmem:s18], [sflag:$0x2] =	stream.indirect_vreg.gather [hbm4b:s9+s5], $0x80, v4, vm0, $0xb8;
	[tilespmem:$0x18280] =	vst v63  }
0x5f: {  	s19 =	simm.s32 $0xDA80  }
0x60: {  	[tilespmem:s19], [sflag:$0x2] =	stream.indirect_vreg.gather [hbm4b:s10+s5], $0x80, v4, vm0, $0xb8;
	[tilespmem:$0x18280] =	vst v63  }
0x61: {  	s21 =	simm.s32 $0xE280  }
0x62: {  	[tilespmem:s21], [sflag:$0x2] =	stream.indirect_vreg.gather [hbm4b:s11+s5], $0x80, v4, vm0, $0xb8;
	[tilespmem:$0x18280] =	vst v63  }
0x63: {  	s22 =	simm.s32 $0xEA80  }
0x64: {  	[tilespmem:s22], [sflag:$0x2] =	stream.indirect_vreg.gather [hbm4b:s13+s5], $0x80, v4, vm0, $0xb8;
	[tilespmem:$0x18280] =	vst v63  }
0x65: {  	s23 =	simm.s32 $0xF280  }
0x66: {  	[tilespmem:s23], [sflag:$0x2] =	stream.indirect_vreg.gather [hbm4b:s14+s5], $0x80, v4, vm0, $0xb8;
	[tilespmem:$0x18280] =	vst v63  }
0x67: {  	s24 =	simm.s32 $0xFA80  }
0x68: {  	[tilespmem:s24], [sflag:$0x2] =	stream.indirect_vreg.gather [hbm4b:s15+s5], $0x80, v4, vm0, $0xb8;
	[tilespmem:$0x18280] =	vst v63  }
0x69: {  	s25 =	rddreg [dreg:$0xb];
	s26 =	simm.s32 $0x200  }
0x6a: {  	[tilespmem:s26], [sflag:$0x6] =	stream.linear.gather [hbm4b:s25+s5], $0x40, $0x38;
	[tilespmem:$0x18280] =	vst v63  }
0x6b: {  	_ =	swait.ge [sflag:s20], $0x40  }
0x6c: {  	[sflag:s20] =	ssyncset.done $0x0  }
0x6d: {  	[sflag:s20] =	ssyncadd.s32 $0xFFFFFFC0  }
0x6e: {  	s28 =	simm.s32 $0x201;
	[tilespmem:$0x240] =	vst v3  }
0x6f: {  	v4 =	vld [tilespmem:s28+$0xFFFFFFFF];
	_ =	sdelay $0x1  }
0x70: {  	v5 =	vld [tilespmem:s28+$0x0];
	_ =	sdelay $0x2  }
0x71: {  	(v2sf) =	vpush v4, $0x0;
	_ =	sdelay $0x1  }
0x72: {  	(v2sf) =	vpush v5, $0x0;
	_ =	sdelay $0xc  }
0x73: {  	s30 =	rddreg [dreg:$0x5];
	s4 =	spop (v2sf)  }
0x74: {  	p0 =	sge.s32 s4, s12;
	p1 =	slt.s32 s4, s30  }
0x75: {  	s31 =	spop (v2sf);
	p0 =	por !p0, !p1  }
0x76: {  	p6 =	sne.s32 s4, s31;
	p0 =	por !p0, !p0  }
0x77: {  	p0 =	por !p0, !p6  }
0x78: {  	s3 =	rddreg [dreg:$0x6];
	p1 =	por !p0, !p0  }
0x79: {  	s0 =	rddreg [dreg:$0xa];
	s3 =	sadd.s32 @p1 s3, s4  }
0x7a: {  	p0 =	por @p1 $0x0, $0x0;
	[smem:s5] =	sst @p1 s3  }
0x7b: {  	p0 =	por p0, !p1;
	[smem:$0x80] =	sst @p1 s0  }
0x7c: {  	s3 =	simm.s32 @!p0 $0x0;
	s4 =	simm.s32 @!p0 $0x0;
	s7 =	sand.u32 @!p0 $0x70, s5  }
0x7d: {  	s2 =	rddreg [dreg:$0xd];
	s3 =	sand.u32 @!p0 $0xFFFFC000, s3;
	s4 =	sand.u32 @!p0 $0x380, s4  }
0x7e: {  	s7 =	sadd.s32 @!p0 s1, s7;
	s3 =	sor.u32 @!p0 s4, s3;
	s4 =	sand.u32 @!p0 $0xF800, s2  }
0x7f: {  	s25 =	simm.s32 @!p0 $0x0;
	s16 =	sadd.s32 @!p0 $0x10280, s3;
	s4 =	sadd.s32 @!p0 s4, s7  }
0x80: {  	[tilespmem:s16], [sflag:$0x5] =	stream.linear.gather @!p0 [hbm4b:s4+s25], $0x80, $0x38;
	[tilespmem:$0x18280] =	vst v63  }
0x81: {  	s3 =	sadd.s32 @!p0 $0x80, s4;
	s7 =	sadd.s32 @!p0 $0x400, s16  }
0x82: {  	[tilespmem:s7], [sflag:$0x5] =	stream.linear.gather @!p0 [hbm4b:s3+s25], $0x80, $0x38;
	[tilespmem:$0x18280] =	vst v63  }
0x83: {  	s3 =	sadd.s32 @!p0 $0x100, s4;
	s7 =	sor.u32 @!p0 $0x800, s16  }
0x84: {  	[tilespmem:s7], [sflag:$0x5] =	stream.linear.gather @!p0 [hbm4b:s3+s25], $0x80, $0x38;
	[tilespmem:$0x18280] =	vst v63  }
0x85: {  	s3 =	sadd.s32 @!p0 $0x180, s4;
	s7 =	sadd.s32 @!p0 $0xC00, s16  }
0x86: {  	[tilespmem:s7], [sflag:$0x5] =	stream.linear.gather @!p0 [hbm4b:s3+s25], $0x80, $0x38;
	[tilespmem:$0x18280] =	vst v63  }
0x87: {  	s3 =	sadd.s32 @!p0 $0x200, s4;
	s7 =	sor.u32 @!p0 $0x1000, s16  }
0x88: {  	[tilespmem:s7], [sflag:$0x5] =	stream.linear.gather @!p0 [hbm4b:s3+s25], $0x80, $0x38;
	[tilespmem:$0x18280] =	vst v63  }
0x89: {  	s3 =	sadd.s32 @!p0 $0x280, s4;
	s7 =	sadd.s32 @!p0 $0x1400, s16  }
0x8a: {  	[tilespmem:s7], [sflag:$0x5] =	stream.linear.gather @!p0 [hbm4b:s3+s25], $0x80, $0x38;
	[tilespmem:$0x18280] =	vst v63  }
0x8b: {  	s3 =	sadd.s32 @!p0 $0x300, s4;
	s7 =	sor.u32 @!p0 $0x1800, s16  }
0x8c: {  	[tilespmem:s7], [sflag:$0x5] =	stream.linear.gather @!p0 [hbm4b:s3+s25], $0x80, $0x38;
	[tilespmem:$0x18280] =	vst v63  }
0x8d: {  	s3 =	sadd.s32 @!p0 $0x380, s4;
	s7 =	sadd.s32 @!p0 $0x1C00, s16  }
0x8e: {  	[tilespmem:s7], [sflag:$0x5] =	stream.linear.gather @!p0 [hbm4b:s3+s25], $0x80, $0x38;
	[tilespmem:$0x18280] =	vst v63  }
0x8f: {  	s3 =	sadd.s32 @!p0 $0x400, s4;
	s7 =	sor.u32 @!p0 $0x2000, s16  }
0x90: {  	[tilespmem:s7], [sflag:$0x5] =	stream.linear.gather @!p0 [hbm4b:s3+s25], $0x80, $0x38;
	[tilespmem:$0x18280] =	vst v63  }
0x91: {  	s21 =	simm.s32 $0x10;
	s3 =	sadd.s32 @!p0 $0x480, s4;
	s7 =	sadd.s32 @!p0 $0x2400, s16  }
0x92: {  	[tilespmem:s7], [sflag:$0x5] =	stream.linear.gather @!p0 [hbm4b:s3+s25], $0x80, $0x38;
	[tilespmem:$0x18280] =	vst v63  }
0x93: {  	s22 =	simm.s32 $0x202;
	s3 =	sadd.s32 @!p0 $0x500, s4;
	s7 =	sor.u32 @!p0 $0x2800, s16  }
0x94: {  	[tilespmem:s7], [sflag:$0x5] =	stream.linear.gather @!p0 [hbm4b:s3+s25], $0x80, $0x38;
	[tilespmem:$0x18280] =	vst v63  }
0x95: {  	s24 =	sadd.s32 $0x1, s0;
	s3 =	sadd.s32 @!p0 $0x580, s4;
	s7 =	sadd.s32 @!p0 $0x2C00, s16  }
0x96: {  	[tilespmem:s7], [sflag:$0x5] =	stream.linear.gather @!p0 [hbm4b:s3+s25], $0x80, $0x38;
	[tilespmem:$0x18280] =	vst v63  }
0x97: {  	s23 =	sadd.s32 $0x100, s2;
	s3 =	sadd.s32 @!p0 $0x600, s4;
	s7 =	sor.u32 @!p0 $0x3000, s16  }
0x98: {  	[tilespmem:s7], [sflag:$0x5] =	stream.linear.gather @!p0 [hbm4b:s3+s25], $0x80, $0x38;
	[tilespmem:$0x18280] =	vst v63  }
0x99: {  	s17 =	sadd.s32 @!p0 $0x3400, s16;
	s3 =	simm.s32 $0x1;
	s7 =	sadd.s32 @!p0 $0x680, s4  }
0x9a: {  	[tilespmem:s17], [sflag:$0x5] =	stream.linear.gather @!p0 [hbm4b:s7+s25], $0x80, $0x38;
	[tilespmem:$0x18280] =	vst v63  }
0x9b: {  	s3 =	simm.s32 @!p1 $0x0;
	s7 =	sadd.s32 @!p0 $0x700, s4;
	s17 =	sor.u32 @!p0 $0x3800, s16  }
0x9c: {  	[tilespmem:s17], [sflag:$0x5] =	stream.linear.gather @!p0 [hbm4b:s7+s25], $0x80, $0x38;
	[tilespmem:$0x18280] =	vst v63  }
0x9d: {  	s3 =	sadd.s32 $0x0, s3;
	s7 =	sadd.s32 @!p0 $0x780, s4;
	s17 =	sadd.s32 @!p0 $0x3C00, s16  }
.LBB2_2:
0x9e: {  	[tilespmem:s17], [sflag:$0x5] =	stream.linear.gather @!p0 [hbm4b:s7+s25], $0x80, $0x38;
	[tilespmem:$0x18280] =	vst v63  }
0x9f: {  	v4 =	vld [tilespmem:s22+$0xFFFFFFFF];
	_ =	sdelay $0x1  }
0xa0: {  	v5 =	vld [tilespmem:s22+$0x0];
	_ =	sdelay $0x2  }
0xa1: {  	(v2sf) =	vpush v4, $0x0;
	_ =	sdelay $0x1  }
0xa2: {  	(v2sf) =	vpush v5, $0x0;
	_ =	sdelay $0xc  }
0xa3: {  	s16 =	rddreg [dreg:$0x5];
	s17 =	spop (v2sf)  }
0xa4: {  	p5 =	sge.s32 s17, s12;
	p2 =	slt.s32 s17, s16  }
0xa5: {  	s31 =	spop (v2sf);
	p0 =	por !p5, !p2  }
0xa6: {  	p6 =	sne.s32 s17, s31;
	p0 =	por !p0, !p0  }
0xa7: {  	p0 =	por !p0, !p6  }
0xa8: {  	s16 =	rddreg [dreg:$0x6];
	p2 =	por !p0, !p0  }
0xa9: {  	s4 =	smov.u32 s21;
	s16 =	sadd.s32 @p2 s16, s17;
	s17 =	simm.s32 $0x1  }
0xaa: {  	s7 =	smov.u32 s3;
	p0 =	sgt.s32 @p2 s3, $0xF;
	s17 =	simm.s32 @!p2 $0x0  }
0xab: {  	[smem:s7] =	sst @p2 s16;
	p0 =	por p0, !p2;
	s3 =	sadd.s32 s17, s3  }
0xac: {  	s16 =	sshll.u32 @!p0 s7, $0xB;
	s17 =	sshll.u32 @!p0 s7, $0x7;
	s4 =	sand.u32 @!p0 $0x70, s4  }
0xad: {  	[smem:s7+$0x80] =	sst @p2 s24;
	s16 =	sand.u32 @!p0 $0xFFFFC000, s16;
	s17 =	sand.u32 @!p0 $0x380, s17  }
0xae: {  	s4 =	sadd.s32 @!p0 s1, s4;
	s7 =	sor.u32 @!p0 s17, s16;
	s16 =	sand.u32 @!p0 $0xF800, s23  }
0xaf: {  	s25 =	simm.s32 @!p0 $0x0;
	s17 =	sadd.s32 @!p0 $0x10280, s7;
	s4 =	sadd.s32 @!p0 s16, s4  }
0xb0: {  	[tilespmem:s17], [sflag:$0x5] =	stream.linear.gather @!p0 [hbm4b:s4+s25], $0x80, $0x38;
	[tilespmem:$0x18280] =	vst v63  }
0xb1: {  	s7 =	sadd.s32 @!p0 $0x80, s4;
	s16 =	sadd.s32 @!p0 $0x400, s17  }
0xb2: {  	[tilespmem:s16], [sflag:$0x5] =	stream.linear.gather @!p0 [hbm4b:s7+s25], $0x80, $0x38;
	[tilespmem:$0x18280] =	vst v63  }
0xb3: {  	s18 =	sadd.s32 @!p0 $0x100, s4;
	s7 =	sor.u32 @!p0 $0x800, s17  }
0xb4: {  	[tilespmem:s7], [sflag:$0x5] =	stream.linear.gather @!p0 [hbm4b:s18+s25], $0x80, $0x38;
	[tilespmem:$0x18280] =	vst v63  }
0xb5: {  	s19 =	sadd.s32 @!p0 $0xC00, s17;
	s16 =	sadd.s32 @!p0 $0x180, s4  }
0xb6: {  	[tilespmem:s19], [sflag:$0x5] =	stream.linear.gather @!p0 [hbm4b:s16+s25], $0x80, $0x38;
	[tilespmem:$0x18280] =	vst v63  }
0xb7: {  	s7 =	sadd.s32 @!p0 $0x200, s4;
	s18 =	sor.u32 @!p0 $0x1000, s17  }
0xb8: {  	[tilespmem:s18], [sflag:$0x5] =	stream.linear.gather @!p0 [hbm4b:s7+s25], $0x80, $0x38;
	[tilespmem:$0x18280] =	vst v63  }
0xb9: {  	s6 =	sadd.s32 @!p0 $0x280, s4;
	s16 =	sadd.s32 @!p0 $0x1400, s17  }
0xba: {  	[tilespmem:s16], [sflag:$0x5] =	stream.linear.gather @!p0 [hbm4b:s6+s25], $0x80, $0x38;
	[tilespmem:$0x18280] =	vst v63  }
0xbb: {  	s26 =	sor.u32 @!p0 $0x1800, s17;
	s19 =	sadd.s32 @!p0 $0x300, s4  }
0xbc: {  	[tilespmem:s26], [sflag:$0x5] =	stream.linear.gather @!p0 [hbm4b:s19+s25], $0x80, $0x38;
	[tilespmem:$0x18280] =	vst v63  }
0xbd: {  	s7 =	sadd.s32 @!p0 $0x380, s4;
	s18 =	sadd.s32 @!p0 $0x1C00, s17  }
0xbe: {  	[tilespmem:s18], [sflag:$0x5] =	stream.linear.gather @!p0 [hbm4b:s7+s25], $0x80, $0x38;
	[tilespmem:$0x18280] =	vst v63  }
0xbf: {  	s28 =	sadd.s32 @!p0 $0x400, s4;
	s6 =	sor.u32 @!p0 $0x2000, s17  }
0xc0: {  	[tilespmem:s6], [sflag:$0x5] =	stream.linear.gather @!p0 [hbm4b:s28+s25], $0x80, $0x38;
	[tilespmem:$0x18280] =	vst v63  }
0xc1: {  	s30 =	sadd.s32 @!p0 $0x2400, s17;
	s16 =	sadd.s32 @!p0 $0x480, s4  }
0xc2: {  	[tilespmem:s30], [sflag:$0x5] =	stream.linear.gather @!p0 [hbm4b:s16+s25], $0x80, $0x38;
	[tilespmem:$0x18280] =	vst v63  }
0xc3: {  	s21 =	sadd.s32 $0x10, s21;
	s19 =	sadd.s32 @!p0 $0x500, s4;
	s26 =	sor.u32 @!p0 $0x2800, s17  }
0xc4: {  	[tilespmem:s26], [sflag:$0x5] =	stream.linear.gather @!p0 [hbm4b:s19+s25], $0x80, $0x38;
	[tilespmem:$0x18280] =	vst v63  }
0xc5: {  	p1 =	sne.s32 s21, $0x400;
	s31 =	sadd.s32 @!p0 $0x580, s4;
	s18 =	sadd.s32 @!p0 $0x2C00, s17  }
0xc6: {  	[tilespmem:s18], [sflag:$0x5] =	stream.linear.gather @!p0 [hbm4b:s31+s25], $0x80, $0x38;
	[tilespmem:$0x18280] =	vst v63  }
0xc7: {  	s22 =	sadd.s32 $0x1, s22;
	s0 =	sadd.s32 @!p0 $0x600, s4;
	s2 =	sor.u32 @!p0 $0x3000, s17  }
0xc8: {  	[tilespmem:s2], [sflag:$0x5] =	stream.linear.gather @!p0 [hbm4b:s0+s25], $0x80, $0x38;
	[tilespmem:$0x18280] =	vst v63  }
.Ltmp2:
0xc9: {  	s24 =	sadd.s32 $0x1, s24;
	s23 =	sadd.s32 $0x100, s23;
	(pc) =	sbr.rel @p1 .LBB2_2-.Ltmp2, $4  }
0xca: {  	s8 =	sadd.s32 @!p0 $0x700, s4;
	s6 =	sadd.s32 @!p0 $0x680, s4;
	s28 =	sadd.s32 @!p0 $0x3400, s17  }
0xcb: {  	[tilespmem:s28], [sflag:$0x5] =	stream.linear.gather @!p0 [hbm4b:s6+s25], $0x80, $0x38;
	[tilespmem:$0x18280] =	vst v63  }
0xcc: {  	s7 =	sadd.s32 @!p0 $0x780, s4;
	s16 =	sor.u32 @!p0 $0x3800, s17;
	s17 =	sadd.s32 @!p0 $0x3C00, s17  }
0xcd: {  	[tilespmem:s16], [sflag:$0x5] =	stream.linear.gather @!p0 [hbm4b:s8+s25], $0x80, $0x38;
	[tilespmem:$0x18280] =	vst v63  }
0xce: {  	[tilespmem:s17], [sflag:$0x5] =	stream.linear.gather @!p0 [hbm4b:s7+s25], $0x80, $0x38;
	[tilespmem:$0x18280] =	vst v63  }
0xcf: {  	p0 =	slt.s32 s3, $0x1  }
.Ltmp3:
0xd0: {  	_ = 	snop;
	(pc) =	sbr.rel @p0 .LBB2_7-.Ltmp3, $2  }
0xd1: {  	_ =	sdelay $0x2  }
0xd2: {  	s30 =	rddreg [dreg:$0x7]  }
0xd3: {  	s0 =	smin.u32 s3, $0x10  }
0xd4: {  	p1 =	sne.s32 s0, $0x1  }
.Ltmp4:
0xd5: {  	_ = 	snop;
	(pc) =	sbr.rel @!p1 .LBB2_6-.Ltmp4, $3  }
0xd6: {  	_ =	sdelay $0x1  }
0xd7: {  	_ =	swait.ge [sflag:s29], $0x800  }
0xd8: {  	s4 =	sadd.s32 $0xFFFFFFFF, s0;
	[sflag:s29] =	ssyncset.done $0x0  }
.LBB2_5:
0xd9: {  	p1 =	sne.s32 s4, $0x1;
	s4 =	sadd.s32 $0xFFFFFFFF, s4;
	[sflag:s29] =	ssyncadd.s32 $0xFFFFF800  }
.Ltmp5:
0xda: {  	(pc) =	sbr.rel @p1 .LBB2_5-.Ltmp5, $3  }
0xdb: {  	_ =	sdelay $0x1  }
0xdc: {  	_ =	swait.ge [sflag:s29], $0x800  }
0xdd: {  	[sflag:s29] =	ssyncset.done $0x0  }
.LBB2_6:
0xde: {  	[sflag:s29] =	ssyncadd.s32 $0xFFFFF800  }
.LBB2_7:
0xdf: {  	s26 =	rddreg [dreg:$0x2]  }
0xe0: {  	s28 =	rddreg [dreg:$0x3]  }
0xe1: {  	s22 =	simm.s32 $0x0;
	s31 =	rddreg [dreg:$0x9]  }
.LBB2_8:
.Ltmp6:
0xe2: {  	(pc) =	sbr.rel @p0 .LBB2_17-.Ltmp6, $4  }
0xe3: {  	s2 =	simm.s32 $0x1  }
0xe4: {  	s0 =	sshll.u32 s22, $0x5;
	_ =	swait.ge [sflag:s2], $0x8000  }
0xe5: {  	s24 =	sor.u32 s30, s0;
	[sflag:s2] =	ssyncset.done $0x0  }
0xe6: {  	s21 =	sor.u32 $0x10, s24;
	[sflag:s2] =	ssyncadd.s32 $0xFFFF8000  }
.Ltmp7:
0xe7: {  	(pc) =	sbr.rel .LBB2_10-.Ltmp7, $2  }
0xe8: {  	_ =	sdelay $0x2  }
0xe9: {  	s23 =	simm.s32 $0x0  }
.LBB2_13:
0xea: {  	s0 =	sadd.s32 s18, s17  }
0xeb: {  	s0 =	sadd.s32 s7, s0  }
0xec: {  	[tilespmem:s0+$0x0] =	vst v4  }
.LBB2_16:
0xed: {  	s23 =	sadd.s32 $0x1, s23  }
0xee: {  	p1 =	slt.s32 s23, s3  }
.Ltmp8:
0xef: {  	_ = 	snop;
	(pc) =	sbr.rel @!p1 .LBB2_17-.Ltmp8, $1  }
0xf0: {  	_ =	sdelay $0x3  }
.LBB2_10:
0xf1: {  	s7 =	sld [smem:s23+$0x0];
	_ =	sdelay $0x2  }
0xf2: {  	p1 =	sge.s32 s7, s24;
	p2 =	slt.s32 s7, s21  }
0xf3: {  	p1 =	por !p1, !p2  }
0xf4: {  	p6 =	sgt.u32 s23, $0xF;
	p1 =	por !p1, !p1  }
0xf5: {  	p2 =	por p6, !p1  }
.Ltmp9:
0xf6: {  	_ = 	snop;
	(pc) =	sbr.rel @p2 .LBB2_14-.Ltmp9, $1  }
0xf7: {  	_ =	sdelay $0x3  }
0xf8: {  	s0 =	sshll.u32 s23, $0xB;
	s2 =	sshll.u32 s23, $0x7  }
0xf9: {  	s0 =	sand.u32 $0x4000, s0;
	s2 =	sand.u32 $0x380, s2  }
0xfa: {  	s8 =	ssub.s32 s7, s24;
	s17 =	simm.s32 $0x0;
	s0 =	sor.u32 s2, s0  }
0xfb: {  	s4 =	sshll.u32 s7, $0x7;
	s18 =	sand.u32 $0x3C00, s17;
	s25 =	sadd.s32 $0x10280, s0  }
0xfc: {  	s16 =	sshll.u32 s8, $0xB;
	s7 =	sand.u32 $0x70, s17;
	s19 =	sadd.s32 s18, s25  }
0xfd: {  	s4 =	sand.u32 $0x380, s4;
	s0 =	sand.u32 $0xFFFFC000, s16;
	s2 =	sadd.s32 s7, s19  }
0xfe: {  	s0 =	sor.u32 s4, s0;
	v4 =	vld [tilespmem:s2+$0x0]  }
0xff: {  	s16 =	simm.s32 $0x10;
	s17 =	sadd.s32 $0x280, s0;
	s19 =	simm.s32 $0x80  }
.LBB2_12:
0x100: {  	s0 =	sand.u32 $0x3C00, s19;
	s2 =	smov.u32 s16;
	p1 =	seq.s32 s16, $0x7F0  }
.Ltmp10:
0x101: {  	s16 =	sadd.s32 $0x10, s16;
	s4 =	sadd.s32 s18, s17;
	(pc) =	sbr.rel @!p1 .LBB2_12-.Ltmp10, $4  }
0x102: {  	s6 =	sadd.s32 s0, s25;
	s4 =	sadd.s32 s7, s4;
	s7 =	sand.u32 $0x70, s2  }
0x103: {  	s18 =	smov.u32 s0;
	s2 =	sadd.s32 s7, s6;
	[tilespmem:s4+$0x0] =	vst v4  }
0x104: {  	v4 =	vld [tilespmem:s2+$0x0]  }
0x105: {  	s19 =	sadd.s32 $0x80, s19  }
.Ltmp11:
0x106: {  	_ = 	snop;
	(pc) =	sbr.rel .LBB2_13-.Ltmp11, $1  }
0x107: {  	_ =	sdelay $0x3  }
.LBB2_14:
0x108: {  	p2 =	slt.u32 s23, $0x10;
	p1 =	por !p1, !p1  }
0x109: {  	p1 =	por p2, p1  }
.Ltmp12:
0x10a: {  	_ = 	snop;
	(pc) =	sbr.rel @p1 .LBB2_16-.Ltmp12, $1  }
0x10b: {  	_ =	sdelay $0x3  }
0x10c: {  	s0 =	sld [smem:s23+$0x80];
	_ =	sdelay $0x1  }
0x10d: {  	s2 =	ssub.s32 s7, s24  }
0x10e: {  	s6 =	sshll.u32 s7, $0x7;
	s4 =	sshll.u32 s0, $0xB;
	s0 =	sshll.u32 s0, $0x7  }
0x10f: {  	s2 =	sshll.u32 s2, $0xB;
	s4 =	sand.u32 $0xFFFFC000, s4;
	s0 =	sand.u32 $0x380, s0  }
0x110: {  	s6 =	sand.u32 $0x380, s6;
	s2 =	sand.u32 $0xFFFFC000, s2;
	s0 =	sor.u32 s0, s4  }
0x111: {  	s2 =	sor.u32 s6, s2;
	s0 =	sshrl.u32 s0, $0x3  }
0x112: {  	s17 =	sadd.s32 $0x280, s2;
	s0 =	sadd.s32 s1, s0  }
0x113: {  	[tilespmem:s17], [sflag:$0x6] =	stream.linear.gather [hbm4b:s0+s5], $0x80, $0x38;
	[tilespmem:$0x18280] =	vst v63  }
0x114: {  	s6 =	sadd.s32 $0x680, s2;
	s18 =	sadd.s32 $0x80, s0  }
0x115: {  	[tilespmem:s6], [sflag:$0x6] =	stream.linear.gather [hbm4b:s18+s5], $0x80, $0x38;
	[tilespmem:$0x18280] =	vst v63  }
0x116: {  	s25 =	sadd.s32 $0xA80, s2;
	s19 =	sadd.s32 $0x100, s0  }
0x117: {  	[tilespmem:s25], [sflag:$0x6] =	stream.linear.gather [hbm4b:s19+s5], $0x80, $0x38;
	[tilespmem:$0x18280] =	vst v63  }
0x118: {  	s7 =	sadd.s32 $0xE80, s2;
	s6 =	sadd.s32 $0x180, s0  }
0x119: {  	[tilespmem:s7], [sflag:$0x6] =	stream.linear.gather [hbm4b:s6+s5], $0x80, $0x38;
	[tilespmem:$0x18280] =	vst v63  }
0x11a: {  	s16 =	sadd.s32 $0x1280, s2;
	s8 =	sadd.s32 $0x200, s0  }
0x11b: {  	[tilespmem:s16], [sflag:$0x6] =	stream.linear.gather [hbm4b:s8+s5], $0x80, $0x38;
	[tilespmem:$0x18280] =	vst v63  }
0x11c: {  	s17 =	sadd.s32 $0x280, s0;
	s18 =	sadd.s32 $0x1680, s2  }
0x11d: {  	[tilespmem:s18], [sflag:$0x6] =	stream.linear.gather [hbm4b:s17+s5], $0x80, $0x38;
	[tilespmem:$0x18280] =	vst v63  }
0x11e: {  	s19 =	sadd.s32 $0x300, s0;
	s25 =	sadd.s32 $0x1A80, s2  }
0x11f: {  	[tilespmem:s25], [sflag:$0x6] =	stream.linear.gather [hbm4b:s19+s5], $0x80, $0x38;
	[tilespmem:$0x18280] =	vst v63  }
0x120: {  	s6 =	sadd.s32 $0x380, s0;
	s7 =	sadd.s32 $0x1E80, s2  }
0x121: {  	[tilespmem:s7], [sflag:$0x6] =	stream.linear.gather [hbm4b:s6+s5], $0x80, $0x38;
	[tilespmem:$0x18280] =	vst v63  }
0x122: {  	s8 =	sadd.s32 $0x400, s0;
	s16 =	sadd.s32 $0x2280, s2  }
0x123: {  	[tilespmem:s16], [sflag:$0x6] =	stream.linear.gather [hbm4b:s8+s5], $0x80, $0x38;
	[tilespmem:$0x18280] =	vst v63  }
0x124: {  	s17 =	sadd.s32 $0x480, s0;
	s18 =	sadd.s32 $0x2680, s2  }
0x125: {  	[tilespmem:s18], [sflag:$0x6] =	stream.linear.gather [hbm4b:s17+s5], $0x80, $0x38;
	[tilespmem:$0x18280] =	vst v63  }
0x126: {  	s19 =	sadd.s32 $0x500, s0;
	s25 =	sadd.s32 $0x2A80, s2  }
0x127: {  	[tilespmem:s25], [sflag:$0x6] =	stream.linear.gather [hbm4b:s19+s5], $0x80, $0x38;
	[tilespmem:$0x18280] =	vst v63  }
0x128: {  	s6 =	sadd.s32 $0x580, s0;
	s7 =	sadd.s32 $0x2E80, s2  }
0x129: {  	[tilespmem:s7], [sflag:$0x6] =	stream.linear.gather [hbm4b:s6+s5], $0x80, $0x38;
	[tilespmem:$0x18280] =	vst v63  }
0x12a: {  	s8 =	sadd.s32 $0x600, s0;
	s16 =	sadd.s32 $0x3280, s2  }
0x12b: {  	[tilespmem:s16], [sflag:$0x6] =	stream.linear.gather [hbm4b:s8+s5], $0x80, $0x38;
	[tilespmem:$0x18280] =	vst v63  }
0x12c: {  	s17 =	sadd.s32 $0x680, s0;
	s18 =	sadd.s32 $0x3680, s2  }
0x12d: {  	[tilespmem:s18], [sflag:$0x6] =	stream.linear.gather [hbm4b:s17+s5], $0x80, $0x38;
	[tilespmem:$0x18280] =	vst v63  }
0x12e: {  	s19 =	sadd.s32 $0x700, s0;
	s25 =	sadd.s32 $0x3A80, s2  }
0x12f: {  	[tilespmem:s25], [sflag:$0x6] =	stream.linear.gather [hbm4b:s19+s5], $0x80, $0x38;
	[tilespmem:$0x18280] =	vst v63  }
.Ltmp13:
0x130: {  	s0 =	sadd.s32 $0x780, s0;
	s2 =	sadd.s32 $0x3E80, s2;
	(pc) =	sbr.rel .LBB2_16-.Ltmp13, $4  }
0x131: {  	[tilespmem:s2], [sflag:$0x6] =	stream.linear.gather [hbm4b:s0+s5], $0x80, $0x38;
	[tilespmem:$0x18280] =	vst v63  }
0x132: {  	_ =	swait.ge [sflag:s20], $0x800  }
0x133: {  	[sflag:s20] =	ssyncset.done $0x0  }
0x134: {  	[sflag:s20] =	ssyncadd.s32 $0xFFFFF800  }
.LBB2_17:
0x135: {  	s0 =	sshll.u32 s24, $0x8  }
0x136: {  	s2 =	simm.s32 $0x280;
	s19 =	simm.s32 $0x3;
	s0 =	sadd.s32 s28, s0  }
0x137: {  	[hbm4b:s0+s5] =	stream.linear.scatter [tilespmem:s2], [sflag:$0x3], $0x8000, $0x38;
	[tilespmem:$0x18280] =	vst v63  }
0x138: {  	_ =	swait.ge [sflag:s19], $0x8000  }
0x139: {  	s23 =	sshll.u32 s22, $0x7;
	p1 =	seq.s32 s22, $0xF;
	[sflag:s19] =	ssyncset.done $0x0  }
0x13a: {  	s0 =	sshrl.u32 @!p1 s23, $0x2;
	[sflag:s19] =	ssyncadd.s32 $0xFFFF8000  }
0x13b: {  	v4 =	vld @!p1 [tilespmem:s0+$0x20];
	_ =	sdelay $0x4  }
0x13c: {  	v5 =	vshll.u32 @!p1 v4, $0x4  }
0x13d: {  	v6 =	vlaneseq.u32 @!p1;
	v4 =	vand.u32 @!p1 $0x7, v4;
	v5 =	vand.u32 @!p1 $0xFFFFFF80, v5  }
0x13e: {  	v7 =	vshrl.u32 @!p1 v6, $0x3;
	v4 =	vor.u32 @!p1 v4, v5;
	v5 =	vand.u32 @!p1 $0x7, v6  }
0x13f: {  	v7 =	vmul.u32 @!p1 $0x8, v7;
	v5 =	vperm.xlane @!p1 v4, v5;
	_ =	sdelay $0x1  }
0x140: {  	v5 =	vadd.s32 @!p1 v7, v5;
	_ =	sdelay $0x3  }
0x141: {  	vm1 =	vmmov @!p1 $0xffff;
	s2 =	simm.s32 @!p1 $0x280;
	s0 =	simm.s32 @!p1 $0x0  }
0x142: {  	[tilespmem:s2], [sflag:$0x1] =	stream.indirect_vreg.gather @!p1 [hbm4b:s26+s0], $0x80, v5, vm1, $0xb8;
	[tilespmem:$0x18280] =	vst v63  }
0x143: {  	s2 =	simm.s32 @!p1 $0xA80  }
0x144: {  	[tilespmem:s2], [sflag:$0x1] =	stream.indirect_vreg.gather @!p1 [hbm4b:s31+s0], $0x80, v5, vm1, $0xb8;
	[tilespmem:$0x18280] =	vst v63  }
0x145: {  	s2 =	simm.s32 @!p1 $0x1280  }
0x146: {  	[tilespmem:s2], [sflag:$0x1] =	stream.indirect_vreg.gather @!p1 [hbm4b:s9+s0], $0x80, v5, vm1, $0xb8;
	[tilespmem:$0x18280] =	vst v63  }
0x147: {  	s2 =	simm.s32 @!p1 $0x1A80  }
0x148: {  	[tilespmem:s2], [sflag:$0x1] =	stream.indirect_vreg.gather @!p1 [hbm4b:s10+s0], $0x80, v5, vm1, $0xb8;
	[tilespmem:$0x18280] =	vst v63  }
0x149: {  	s2 =	simm.s32 @!p1 $0x2280  }
0x14a: {  	v6 =	vor.u32 @!p1 $0x8, v6;
	[tilespmem:s2], [sflag:$0x1] =	stream.indirect_vreg.gather @!p1 [hbm4b:s11+s0], $0x80, v5, vm1, $0xb8;
	[tilespmem:$0x18280] =	vst v63  }
0x14b: {  	v4 =	vperm.xlane @!p1 v4, v6;
	s2 =	simm.s32 @!p1 $0x2A80  }
0x14c: {  	[tilespmem:s2], [sflag:$0x1] =	stream.indirect_vreg.gather @!p1 [hbm4b:s13+s0], $0x80, v5, vm1, $0xb8;
	[tilespmem:$0x18280] =	vst v63  }
0x14d: {  	v4 =	vadd.s32 @!p1 v7, v4;
	s2 =	simm.s32 @!p1 $0x3280  }
0x14e: {  	[tilespmem:s2], [sflag:$0x1] =	stream.indirect_vreg.gather @!p1 [hbm4b:s14+s0], $0x80, v5, vm1, $0xb8;
	[tilespmem:$0x18280] =	vst v63  }
0x14f: {  	s2 =	simm.s32 @!p1 $0x3A80  }
0x150: {  	[tilespmem:s2], [sflag:$0x1] =	stream.indirect_vreg.gather @!p1 [hbm4b:s15+s0], $0x80, v5, vm1, $0xb8;
	[tilespmem:$0x18280] =	vst v63  }
0x151: {  	s2 =	simm.s32 @!p1 $0x4280  }
0x152: {  	[tilespmem:s2], [sflag:$0x1] =	stream.indirect_vreg.gather @!p1 [hbm4b:s26+s0], $0x80, v4, vm1, $0xb8;
	[tilespmem:$0x18280] =	vst v63  }
0x153: {  	s2 =	simm.s32 @!p1 $0x4A80  }
0x154: {  	[tilespmem:s2], [sflag:$0x1] =	stream.indirect_vreg.gather @!p1 [hbm4b:s31+s0], $0x80, v4, vm1, $0xb8;
	[tilespmem:$0x18280] =	vst v63  }
0x155: {  	s2 =	simm.s32 @!p1 $0x5280  }
0x156: {  	[tilespmem:s2], [sflag:$0x1] =	stream.indirect_vreg.gather @!p1 [hbm4b:s9+s0], $0x80, v4, vm1, $0xb8;
	[tilespmem:$0x18280] =	vst v63  }
0x157: {  	s2 =	simm.s32 @!p1 $0x5A80  }
0x158: {  	[tilespmem:s2], [sflag:$0x1] =	stream.indirect_vreg.gather @!p1 [hbm4b:s10+s0], $0x80, v4, vm1, $0xb8;
	[tilespmem:$0x18280] =	vst v63  }
0x159: {  	s2 =	simm.s32 @!p1 $0x6280  }
0x15a: {  	[tilespmem:s2], [sflag:$0x1] =	stream.indirect_vreg.gather @!p1 [hbm4b:s11+s0], $0x80, v4, vm1, $0xb8;
	[tilespmem:$0x18280] =	vst v63  }
0x15b: {  	s2 =	simm.s32 @!p1 $0x6A80  }
0x15c: {  	[tilespmem:s2], [sflag:$0x1] =	stream.indirect_vreg.gather @!p1 [hbm4b:s13+s0], $0x80, v4, vm1, $0xb8;
	[tilespmem:$0x18280] =	vst v63  }
0x15d: {  	s2 =	simm.s32 @!p1 $0x7280  }
0x15e: {  	[tilespmem:s2], [sflag:$0x1] =	stream.indirect_vreg.gather @!p1 [hbm4b:s14+s0], $0x80, v4, vm1, $0xb8;
	[tilespmem:$0x18280] =	vst v63  }
.Ltmp14:
0x15f: {  	s25 =	simm.s32 $0x2;
	s2 =	simm.s32 @!p1 $0x7A80;
	(pc) =	sbr.rel @p0 .LBB2_26-.Ltmp14, $4  }
0x160: {  	[tilespmem:s2], [sflag:$0x1] =	stream.indirect_vreg.gather @!p1 [hbm4b:s15+s0], $0x80, v4, vm1, $0xb8;
	[tilespmem:$0x18280] =	vst v63  }
0x161: {  	_ =	swait.ge [sflag:s25], $0x8000  }
0x162: {  	[sflag:s25] =	ssyncset.done $0x0  }
0x163: {  	[sflag:s25] =	ssyncadd.s32 $0xFFFF8000  }
.Ltmp15:
0x164: {  	(pc) =	sbr.rel .LBB2_19-.Ltmp15, $2  }
0x165: {  	_ =	sdelay $0x2  }
0x166: {  	s24 =	sadd.s32 $0x20, s24;
	s25 =	simm.s32 $0x0  }
.LBB2_22:
0x167: {  	s0 =	sadd.s32 s16, s18  }
0x168: {  	s0 =	sadd.s32 s17, s0  }
0x169: {  	[tilespmem:s0+$0x0] =	vst v4  }
.LBB2_25:
0x16a: {  	s25 =	sadd.s32 $0x1, s25  }
0x16b: {  	p2 =	slt.s32 s25, s3  }
.Ltmp16:
0x16c: {  	_ = 	snop;
	(pc) =	sbr.rel @!p2 .LBB2_26-.Ltmp16, $1  }
0x16d: {  	_ =	sdelay $0x3  }
.LBB2_19:
0x16e: {  	s17 =	sld [smem:s25+$0x0];
	_ =	sdelay $0x2  }
0x16f: {  	p2 =	sge.s32 s17, s21;
	p3 =	slt.s32 s17, s24  }
0x170: {  	p2 =	por !p2, !p3  }
0x171: {  	p6 =	sgt.u32 s25, $0xF;
	p2 =	por !p2, !p2  }
0x172: {  	p3 =	por p6, !p2  }
.Ltmp17:
0x173: {  	_ = 	snop;
	(pc) =	sbr.rel @p3 .LBB2_23-.Ltmp17, $1  }
0x174: {  	_ =	sdelay $0x3  }
0x175: {  	s0 =	sshll.u32 s25, $0xB;
	s2 =	sshll.u32 s25, $0x7  }
0x176: {  	s8 =	ssub.s32 s17, s21;
	s0 =	sand.u32 $0x4000, s0;
	s2 =	sand.u32 $0x380, s2  }
0x177: {  	s18 =	simm.s32 $0x0;
	s16 =	sshll.u32 s8, $0xB;
	s0 =	sor.u32 s2, s0  }
0x178: {  	s7 =	sadd.s32 $0x10280, s0;
	s0 =	sand.u32 $0xFFFFC000, s16;
	s16 =	sand.u32 $0x3C00, s18  }
0x179: {  	s4 =	sshll.u32 s17, $0x7;
	s17 =	sand.u32 $0x70, s18;
	s19 =	sadd.s32 s16, s7  }
0x17a: {  	s4 =	sand.u32 $0x380, s4;
	s2 =	sadd.s32 s17, s19  }
0x17b: {  	s0 =	sor.u32 s4, s0;
	v4 =	vld [tilespmem:s2+$0x0]  }
0x17c: {  	s4 =	simm.s32 $0x80;
	s18 =	sadd.s32 $0x8280, s0;
	s19 =	simm.s32 $0x10  }
.LBB2_21:
0x17d: {  	s0 =	sand.u32 $0x3C00, s4;
	s2 =	smov.u32 s19;
	p2 =	seq.s32 s19, $0x7F0  }
.Ltmp18:
0x17e: {  	s19 =	sadd.s32 $0x10, s19;
	s6 =	sadd.s32 s16, s18;
	(pc) =	sbr.rel @!p2 .LBB2_21-.Ltmp18, $4  }
0x17f: {  	s8 =	sadd.s32 s0, s7;
	s6 =	sadd.s32 s17, s6;
	s17 =	sand.u32 $0x70, s2  }
0x180: {  	s16 =	smov.u32 s0;
	s2 =	sadd.s32 s17, s8;
	[tilespmem:s6+$0x0] =	vst v4  }
0x181: {  	v4 =	vld [tilespmem:s2+$0x0]  }
0x182: {  	s4 =	sadd.s32 $0x80, s4  }
.Ltmp19:
0x183: {  	_ = 	snop;
	(pc) =	sbr.rel .LBB2_22-.Ltmp19, $1  }
0x184: {  	_ =	sdelay $0x3  }
.LBB2_23:
0x185: {  	p3 =	slt.u32 s25, $0x10;
	p2 =	por !p2, !p2  }
0x186: {  	p2 =	por p3, p2  }
.Ltmp20:
0x187: {  	_ = 	snop;
	(pc) =	sbr.rel @p2 .LBB2_25-.Ltmp20, $1  }
0x188: {  	_ =	sdelay $0x3  }
0x189: {  	s0 =	sld [smem:s25+$0x80];
	_ =	sdelay $0x1  }
0x18a: {  	s2 =	ssub.s32 s17, s21  }
0x18b: {  	s6 =	sshll.u32 s17, $0x7;
	s4 =	sshll.u32 s0, $0xB;
	s0 =	sshll.u32 s0, $0x7  }
0x18c: {  	s2 =	sshll.u32 s2, $0xB;
	s4 =	sand.u32 $0xFFFFC000, s4;
	s0 =	sand.u32 $0x380, s0  }
0x18d: {  	s6 =	sand.u32 $0x380, s6;
	s2 =	sand.u32 $0xFFFFC000, s2;
	s0 =	sor.u32 s0, s4  }
0x18e: {  	s2 =	sor.u32 s6, s2;
	s0 =	sshrl.u32 s0, $0x3  }
0x18f: {  	s16 =	sadd.s32 $0x8280, s2;
	s0 =	sadd.s32 s1, s0  }
0x190: {  	[tilespmem:s16], [sflag:$0x6] =	stream.linear.gather [hbm4b:s0+s5], $0x80, $0x38;
	[tilespmem:$0x18280] =	vst v63  }
0x191: {  	s6 =	sadd.s32 $0x8680, s2;
	s17 =	sadd.s32 $0x80, s0  }
0x192: {  	[tilespmem:s6], [sflag:$0x6] =	stream.linear.gather [hbm4b:s17+s5], $0x80, $0x38;
	[tilespmem:$0x18280] =	vst v63  }
0x193: {  	s19 =	sadd.s32 $0x8A80, s2;
	s18 =	sadd.s32 $0x100, s0  }
0x194: {  	[tilespmem:s19], [sflag:$0x6] =	stream.linear.gather [hbm4b:s18+s5], $0x80, $0x38;
	[tilespmem:$0x18280] =	vst v63  }
0x195: {  	s8 =	sadd.s32 $0x8E80, s2;
	s7 =	sadd.s32 $0x180, s0  }
0x196: {  	[tilespmem:s8], [sflag:$0x6] =	stream.linear.gather [hbm4b:s7+s5], $0x80, $0x38;
	[tilespmem:$0x18280] =	vst v63  }
0x197: {  	s16 =	sadd.s32 $0x200, s0;
	s17 =	sadd.s32 $0x9280, s2  }
0x198: {  	[tilespmem:s17], [sflag:$0x6] =	stream.linear.gather [hbm4b:s16+s5], $0x80, $0x38;
	[tilespmem:$0x18280] =	vst v63  }
0x199: {  	s18 =	sadd.s32 $0x280, s0;
	s19 =	sadd.s32 $0x9680, s2  }
0x19a: {  	[tilespmem:s19], [sflag:$0x6] =	stream.linear.gather [hbm4b:s18+s5], $0x80, $0x38;
	[tilespmem:$0x18280] =	vst v63  }
0x19b: {  	s7 =	sadd.s32 $0x300, s0;
	s8 =	sadd.s32 $0x9A80, s2  }
0x19c: {  	[tilespmem:s8], [sflag:$0x6] =	stream.linear.gather [hbm4b:s7+s5], $0x80, $0x38;
	[tilespmem:$0x18280] =	vst v63  }
0x19d: {  	s16 =	sadd.s32 $0x380, s0;
	s17 =	sadd.s32 $0x9E80, s2  }
0x19e: {  	[tilespmem:s17], [sflag:$0x6] =	stream.linear.gather [hbm4b:s16+s5], $0x80, $0x38;
	[tilespmem:$0x18280] =	vst v63  }
0x19f: {  	s18 =	sadd.s32 $0x400, s0;
	s19 =	sadd.s32 $0xA280, s2  }
0x1a0: {  	[tilespmem:s19], [sflag:$0x6] =	stream.linear.gather [hbm4b:s18+s5], $0x80, $0x38;
	[tilespmem:$0x18280] =	vst v63  }
0x1a1: {  	s7 =	sadd.s32 $0x480, s0;
	s8 =	sadd.s32 $0xA680, s2  }
0x1a2: {  	[tilespmem:s8], [sflag:$0x6] =	stream.linear.gather [hbm4b:s7+s5], $0x80, $0x38;
	[tilespmem:$0x18280] =	vst v63  }
0x1a3: {  	s16 =	sadd.s32 $0x500, s0;
	s17 =	sadd.s32 $0xAA80, s2  }
0x1a4: {  	[tilespmem:s17], [sflag:$0x6] =	stream.linear.gather [hbm4b:s16+s5], $0x80, $0x38;
	[tilespmem:$0x18280] =	vst v63  }
0x1a5: {  	s18 =	sadd.s32 $0x580, s0;
	s19 =	sadd.s32 $0xAE80, s2  }
0x1a6: {  	[tilespmem:s19], [sflag:$0x6] =	stream.linear.gather [hbm4b:s18+s5], $0x80, $0x38;
	[tilespmem:$0x18280] =	vst v63  }
0x1a7: {  	s7 =	sadd.s32 $0x600, s0;
	s8 =	sadd.s32 $0xB280, s2  }
0x1a8: {  	[tilespmem:s8], [sflag:$0x6] =	stream.linear.gather [hbm4b:s7+s5], $0x80, $0x38;
	[tilespmem:$0x18280] =	vst v63  }
0x1a9: {  	s16 =	sadd.s32 $0x680, s0;
	s17 =	sadd.s32 $0xB680, s2  }
0x1aa: {  	[tilespmem:s17], [sflag:$0x6] =	stream.linear.gather [hbm4b:s16+s5], $0x80, $0x38;
	[tilespmem:$0x18280] =	vst v63  }
0x1ab: {  	s18 =	sadd.s32 $0x700, s0;
	s19 =	sadd.s32 $0xBA80, s2  }
0x1ac: {  	[tilespmem:s19], [sflag:$0x6] =	stream.linear.gather [hbm4b:s18+s5], $0x80, $0x38;
	[tilespmem:$0x18280] =	vst v63  }
.Ltmp21:
0x1ad: {  	s0 =	sadd.s32 $0x780, s0;
	s2 =	sadd.s32 $0xBE80, s2;
	(pc) =	sbr.rel .LBB2_25-.Ltmp21, $4  }
0x1ae: {  	[tilespmem:s2], [sflag:$0x6] =	stream.linear.gather [hbm4b:s0+s5], $0x80, $0x38;
	[tilespmem:$0x18280] =	vst v63  }
0x1af: {  	_ =	swait.ge [sflag:s20], $0x800  }
0x1b0: {  	[sflag:s20] =	ssyncset.done $0x0  }
0x1b1: {  	[sflag:s20] =	ssyncadd.s32 $0xFFFFF800  }
.LBB2_26:
0x1b2: {  	s0 =	sshll.u32 s21, $0x8;
	s2 =	simm.s32 $0x8280  }
.Ltmp22:
0x1b3: {  	s25 =	simm.s32 $0x4;
	s0 =	sadd.s32 s28, s0;
	(pc) =	sbr.rel @p1 .LBB2_28-.Ltmp22, $4  }
0x1b4: {  	[hbm4b:s0+s5] =	stream.linear.scatter [tilespmem:s2], [sflag:$0x4], $0x8000, $0x38;
	[tilespmem:$0x18280] =	vst v63  }
0x1b5: {  	_ =	swait.ge [sflag:s25], $0x8000  }
0x1b6: {  	[sflag:s25] =	ssyncset.done $0x0  }
0x1b7: {  	[sflag:s25] =	ssyncadd.s32 $0xFFFF8000  }
0x1b8: {  	s0 =	sshrl.u32 s23, $0x2  }
0x1b9: {  	v4 =	vld [tilespmem:s0+$0x30];
	_ =	sdelay $0x4  }
0x1ba: {  	v5 =	vshll.u32 v4, $0x4  }
0x1bb: {  	v4 =	vand.u32 $0x7, v4;
	v5 =	vand.u32 $0xFFFFFF80, v5  }
0x1bc: {  	v4 =	vor.u32 v4, v5  }
0x1bd: {  	v5 =	vperm.xlane v4, v0;
	_ =	sdelay $0x1  }
0x1be: {  	v5 =	vadd.s32 v1, v5;
	_ =	sdelay $0x4  }
0x1bf: {  	[tilespmem:s2], [sflag:$0x2] =	stream.indirect_vreg.gather [hbm4b:s26+s5], $0x80, v5, vm0, $0xb8;
	[tilespmem:$0x18280] =	vst v63  }
0x1c0: {  	s24 =	simm.s32 $0x8A80  }
0x1c1: {  	[tilespmem:s24], [sflag:$0x2] =	stream.indirect_vreg.gather [hbm4b:s31+s5], $0x80, v5, vm0, $0xb8;
	[tilespmem:$0x18280] =	vst v63  }
0x1c2: {  	s25 =	simm.s32 $0x9280  }
0x1c3: {  	[tilespmem:s25], [sflag:$0x2] =	stream.indirect_vreg.gather [hbm4b:s9+s5], $0x80, v5, vm0, $0xb8;
	[tilespmem:$0x18280] =	vst v63  }
0x1c4: {  	s2 =	simm.s32 $0x9A80  }
0x1c5: {  	[tilespmem:s2], [sflag:$0x2] =	stream.indirect_vreg.gather [hbm4b:s10+s5], $0x80, v5, vm0, $0xb8;
	[tilespmem:$0x18280] =	vst v63  }
0x1c6: {  	s4 =	simm.s32 $0xA280  }
0x1c7: {  	[tilespmem:s4], [sflag:$0x2] =	stream.indirect_vreg.gather [hbm4b:s11+s5], $0x80, v5, vm0, $0xb8;
	[tilespmem:$0x18280] =	vst v63  }
0x1c8: {  	s6 =	simm.s32 $0xAA80;
	v4 =	vperm.xlane v4, v2  }
0x1c9: {  	[tilespmem:s6], [sflag:$0x2] =	stream.indirect_vreg.gather [hbm4b:s13+s5], $0x80, v5, vm0, $0xb8;
	[tilespmem:$0x18280] =	vst v63  }
0x1ca: {  	s7 =	simm.s32 $0xB280;
	v4 =	vadd.s32 v1, v4  }
0x1cb: {  	[tilespmem:s7], [sflag:$0x2] =	stream.indirect_vreg.gather [hbm4b:s14+s5], $0x80, v5, vm0, $0xb8;
	[tilespmem:$0x18280] =	vst v63  }
0x1cc: {  	s8 =	simm.s32 $0xBA80  }
0x1cd: {  	[tilespmem:s8], [sflag:$0x2] =	stream.indirect_vreg.gather [hbm4b:s15+s5], $0x80, v5, vm0, $0xb8;
	[tilespmem:$0x18280] =	vst v63  }
0x1ce: {  	s16 =	simm.s32 $0xC280  }
0x1cf: {  	[tilespmem:s16], [sflag:$0x2] =	stream.indirect_vreg.gather [hbm4b:s26+s5], $0x80, v4, vm0, $0xb8;
	[tilespmem:$0x18280] =	vst v63  }
0x1d0: {  	s17 =	simm.s32 $0xCA80  }
0x1d1: {  	[tilespmem:s17], [sflag:$0x2] =	stream.indirect_vreg.gather [hbm4b:s31+s5], $0x80, v4, vm0, $0xb8;
	[tilespmem:$0x18280] =	vst v63  }
0x1d2: {  	s18 =	simm.s32 $0xD280  }
0x1d3: {  	[tilespmem:s18], [sflag:$0x2] =	stream.indirect_vreg.gather [hbm4b:s9+s5], $0x80, v4, vm0, $0xb8;
	[tilespmem:$0x18280] =	vst v63  }
0x1d4: {  	s19 =	simm.s32 $0xDA80  }
0x1d5: {  	[tilespmem:s19], [sflag:$0x2] =	stream.indirect_vreg.gather [hbm4b:s10+s5], $0x80, v4, vm0, $0xb8;
	[tilespmem:$0x18280] =	vst v63  }
0x1d6: {  	s21 =	simm.s32 $0xE280  }
0x1d7: {  	[tilespmem:s21], [sflag:$0x2] =	stream.indirect_vreg.gather [hbm4b:s11+s5], $0x80, v4, vm0, $0xb8;
	[tilespmem:$0x18280] =	vst v63  }
0x1d8: {  	s23 =	simm.s32 $0xEA80  }
0x1d9: {  	[tilespmem:s23], [sflag:$0x2] =	stream.indirect_vreg.gather [hbm4b:s13+s5], $0x80, v4, vm0, $0xb8;
	[tilespmem:$0x18280] =	vst v63  }
.Ltmp23:
0x1da: {  	_ = 	snop;
	(pc) =	sbr.rel .LBB2_8-.Ltmp23, $4  }
0x1db: {  	s24 =	simm.s32 $0xF280  }
0x1dc: {  	[tilespmem:s24], [sflag:$0x2] =	stream.indirect_vreg.gather [hbm4b:s14+s5], $0x80, v4, vm0, $0xb8;
	[tilespmem:$0x18280] =	vst v63  }
0x1dd: {  	s22 =	sadd.s32 $0x1, s22;
	s25 =	simm.s32 $0xFA80  }
0x1de: {  	[tilespmem:s25], [sflag:$0x2] =	stream.indirect_vreg.gather [hbm4b:s15+s5], $0x80, v4, vm0, $0xb8;
	[tilespmem:$0x18280] =	vst v63  }
.LBB2_29:
0x1df: {  	_ =	sfence.sel $0x180000  }
0x1e0: {  	[bflag:$0x0] =	sbarrier.arrive $0xFFFF  }
0x1e1: {  	_ =	strace $0x90000047  }
0x1e2: {  	s0 =	stileid.u32;
	[bflag:$0x2] =	sbarrier.arrive $0xFFFF  }
0x1e3: {  	p0 =	sne.s32 s0, $0x0;
	s0 =	rddreg [dreg:$0x4]  }
0x1e4: {  	s0 =	sadd.s32 @!p0 $0x100000, s0  }
0x1e5: {  	[sflag:s0] =	ssyncadd.tile.s32 @!p0 $0x1;
	_ =	shalt  }
.Lfunc_end2:
_tile_overlayer_lowered:
.L_overlay_start_2:
0x1e6: {  	(tag) =	ssettag $0x2  }
0x1e7: {  	s0 =	rddreg [dreg:$0x0];
	s2 =	stileid.u32  }
0x1e8: {  	s1 =	rddreg [dreg:$0x1];
	p0 =	sne.s32 s2, $0x0  }
0x1e9: {  	s3 =	rddreg [dreg:$0x2];
	[bflag:$0x3] =	sbarrier.arrive $0xFFFF;
	s2 =	simm.s32 @!p0 $0x1C06  }
0x1ea: {  	[timem:s3], [sflag:s2] =	dma.local @!p0 [hbm:s0], s1  }
0x1eb: {  	s0 =	simm.s32 @!p0 $0x6  }
0x1ec: {  	_ =	swait.ge @!p0 [sflag:s0], s1  }
0x1ed: {  	s1 =	ssub.s32 @!p0 $0x0, s1;
	[sflag:s0] =	ssyncset.done @!p0 $0x0  }
0x1ee: {  	[sflag:s0] =	ssyncadd.s32 @!p0 s1  }
0x1ef: {  	[bflag:$0x3] =	sbarrier.arrive $0xFFFF  }
0x1f0: {  	_ =	shalt  }

</sc_bundles>
